<compile_context>
chip_gen: v7x
topology: tpu7x:2x2x1
jax: 0.10.2.dev20260603
libtpu: 0.0.44.dev20260713+nightly
codegen_flags: <defaults>
</compile_context>

<pallas_src>
import functools

import jax
import jax.numpy as jnp
from jax import lax
from jax.experimental import pallas as pl
from jax.experimental.pallas import tpu as pltpu
from jax.experimental.pallas import tpu_sc as plsc

N = 10000
E = 320000
NP = 10240
NPH = NP // 2
C = 128
NCH = 2560
E2 = NCH * C
L = 16
NT = 16
ROWS_T = NCH // NT
ROWS_W = NCH // 32
NODES_T = NPH // NT
COLS_T = NP // NT

_MESH = plsc.VectorSubcoreMesh(core_axis_name="c", subcore_axis_name="s")
_f32 = jnp.float32

_SC_CP = pltpu.CompilerParams()
if "needs_layout_passes" in pltpu.CompilerParams.__dataclass_fields__:
    import dataclasses as _dc
    _SC_CP = _dc.replace(_SC_CP, needs_layout_passes=False)


_HR = NP // C


def _deg_body(dst_hbm, ew_hbm, degw_hbm, deg1_hbm,
              dst_v, wv, hw, h1, idx_v, zrow, shw, sh1):
    c = lax.axis_index("c")
    s = lax.axis_index("s")
    wid = c * NT + s
    r0 = wid * ROWS_W
    pltpu.sync_copy(dst_hbm.at[pl.ds(r0, ROWS_W)], dst_v)
    pltpu.sync_copy(ew_hbm.at[pl.ds(r0, ROWS_W)], wv)
    z = jnp.zeros((L,), _f32)
    ones = jnp.ones((L,), _f32)

    @pl.loop(0, _HR)
    def _(j):
        for k in range(C // L):
            sl = pl.ds(k * L, L)
            hw[j, sl] = z
            h1[j, sl] = z

    @pl.loop(0, ROWS_W)
    def _(j):
        for k in range(C // L):
            sl = pl.ds(k * L, L)
            idx = dst_v[j, sl]
            hi = lax.shift_right_logical(idx, 7)
            lo = lax.bitwise_and(idx, 127)
            plsc.addupdate_scatter(hw, [hi, lo], wv[j, sl])
            eid = (r0 + j) * C + k * L
            valid = (lax.iota(jnp.int32, L) + eid) < E
            plsc.addupdate_scatter(h1, [hi, lo], ones, mask=valid)

    @pl.loop(0, 5)
    def _(j):
        for k in range(C // L):
            zrow[j, pl.ds(k * L, L)] = z

    @pl.loop(0, _HR, step=L)
    def _(i):
        idx_v[pl.ds(i, L)] = lax.iota(jnp.int32, L) + i

    a0 = s * 5
    pltpu.sync_copy(zrow, shw.at[pl.ds(a0, 5)])
    pltpu.sync_copy(zrow, sh1.at[pl.ds(a0, 5)])
    plsc.subcore_barrier()
    pltpu.sync_copy(hw, shw.at[idx_v], add=True)
    pltpu.sync_copy(h1, sh1.at[idx_v], add=True)
    plsc.subcore_barrier()

    @pl.when(s < 10)
    def _():
        b0 = s * 8
        pltpu.sync_copy(shw.at[pl.ds(b0, 8)], degw_hbm.at[c, pl.ds(b0, 8)])
        pltpu.sync_copy(sh1.at[pl.ds(b0, 8)], deg1_hbm.at[c, pl.ds(b0, 8)])


@jax.jit
def _deg_call(dst2d, ew2d):
    f = pl.kernel(
        _deg_body,
        out_type=[jax.ShapeDtypeStruct((2, _HR, C), _f32),
                  jax.ShapeDtypeStruct((2, _HR, C), _f32)],
        mesh=_MESH,
        compiler_params=_SC_CP,
        scratch_types=[
            pltpu.VMEM((ROWS_W, C), jnp.int32),
            pltpu.VMEM((ROWS_W, C), _f32),
            pltpu.VMEM((_HR, C), _f32),
            pltpu.VMEM((_HR, C), _f32),
            pltpu.VMEM((_HR,), jnp.int32),
            pltpu.VMEM((5, C), _f32),
            pltpu.VMEM_SHARED((_HR, C), _f32),
            pltpu.VMEM_SHARED((_HR, C), _f32),
        ],
    )
    return f(dst2d, ew2d)


def _coef_body(src_hbm, dst_hbm, ew_hbm, dw_hbm, d1_hbm, cw_hbm, c1_hbm,
               src_v, dst_v, ew_v, tw, t1, ow, o1):
    c = lax.axis_index("c")
    s = lax.axis_index("s")
    wid = c * NT + s
    r0 = wid * ROWS_W
    pltpu.sync_copy(src_hbm.at[pl.ds(r0, ROWS_W)], src_v)
    pltpu.sync_copy(dst_hbm.at[pl.ds(r0, ROWS_W)], dst_v)
    pltpu.sync_copy(ew_hbm.at[pl.ds(r0, ROWS_W)], ew_v)
    pltpu.sync_copy(dw_hbm, tw)
    pltpu.sync_copy(d1_hbm, t1)

    @pl.loop(0, ROWS_W)
    def _(j):
        for k in range(C // L):
            sl = pl.ds(k * L, L)
            si = src_v[j, sl]
            di = dst_v[j, sl]
            ow[j, sl] = (plsc.load_gather(tw, [si]) *
                         plsc.load_gather(tw, [di]) * ew_v[j, sl])
            eid = (r0 + j) * C + k * L
            valid = (lax.iota(jnp.int32, L) + eid) < E
            c1 = plsc.load_gather(t1, [si]) * plsc.load_gather(t1, [di])
            o1[j, sl] = jnp.where(valid, c1, 0.0)

    pltpu.sync_copy(ow, cw_hbm.at[pl.ds(r0, ROWS_W)])
    pltpu.sync_copy(o1, c1_hbm.at[pl.ds(r0, ROWS_W)])


@jax.jit
def _coef_call(src2d, dst2d, ew2d, dinv_w, dinv_1):
    f = pl.kernel(
        _coef_body,
        out_type=[jax.ShapeDtypeStruct((NCH, C), _f32),
                  jax.ShapeDtypeStruct((NCH, C), _f32)],
        mesh=_MESH,
        compiler_params=_SC_CP,
        scratch_types=[
            pltpu.VMEM((ROWS_W, C), jnp.int32),
            pltpu.VMEM((ROWS_W, C), jnp.int32),
            pltpu.VMEM((ROWS_W, C), _f32),
            pltpu.VMEM((NP,), _f32),
            pltpu.VMEM((NP,), _f32),
            pltpu.VMEM((ROWS_W, C), _f32),
            pltpu.VMEM((ROWS_W, C), _f32),
        ],
    )
    return f(src2d, dst2d, ew2d, dinv_w, dinv_1)


ET = ROWS_T * C


def _agg_body(bc, bp, npass, fa, fb, sla, slb, src_hbm, dst_hbm, cf_hbm,
              out_hbm, src1d, dst1d, cf1d, dm, rows, acc):
    c = lax.axis_index("c")
    s = lax.axis_index("s")
    e0 = s * ET
    n0 = s * NODES_T

    def process(feat_hbm, base):
        pltpu.sync_copy(src_hbm.at[pl.ds(e0, ET)], src1d.at[pl.ds(0, ET)])
        pltpu.sync_copy(dst_hbm.at[pl.ds(e0, ET)], dst1d.at[pl.ds(0, ET)])
        pltpu.sync_copy(cf_hbm.at[pl.ds(e0, ET)], cf1d.at[pl.ds(0, ET)])

        def cbody(i, off):
            sl = pl.ds(i * L, L)
            sv = src1d[sl]
            dv = dst1d[sl] - base
            cv = cf1d[sl]
            m = (dv >= 0) & (dv < NPH)
            plsc.store_compressed(src1d.at[pl.ds(off, L)], sv, mask=m)
            plsc.store_compressed(dst1d.at[pl.ds(off, L)], dv, mask=m)
            plsc.store_compressed(cf1d.at[pl.ds(off, L)], cv, mask=m)
            return off + plsc.all_reduce_population_count(m)[0]

        off = lax.fori_loop(0, ET // L, cbody, jnp.int32(0), unroll=4)

        bt = (off // L) * L
        lm = lax.iota(jnp.int32, L) >= (off - bt)
        for ref in (src1d, dst1d):
            v = ref[pl.ds(bt, L)]
            ref[pl.ds(bt, L)] = jnp.where(lm, 0, v)
        vf = cf1d[pl.ds(bt, L)]
        cf1d[pl.ds(bt, L)] = jnp.where(lm, 0.0, vf)
        for k in range(1, 10):
            src1d[pl.ds(bt + k * L, L)] = jnp.zeros((L,), jnp.int32)
            dst1d[pl.ds(bt + k * L, L)] = jnp.zeros((L,), jnp.int32)
            cf1d[pl.ds(bt + k * L, L)] = jnp.zeros((L,), _f32)

        ncht = (off + C - 1) // C

        @pl.loop(0, ROWS_T)
        def _(qj):
            @pl.when(qj < ncht)
            def _():
                for k in range(C // L):
                    dm[0, pl.ds(k * L, L)] = dst1d[pl.ds(qj * C + k * L, L)]
                pltpu.sync_copy(feat_hbm.at[src1d.at[pl.ds(qj * C, C)]], rows)

                @pl.loop(0, C // L)
                def _(g):
                    cvec = cf1d[pl.ds(qj * C + g * L, L)]
                    for l in range(L):
                        sc = cvec[l]
                        i = g * L + l
                        for k in range(128 // L):
                            ksl = pl.ds(k * L, L)
                            rows[i, ksl] = rows[i, ksl] * sc

                pltpu.sync_copy(rows, acc.at[dm.at[0]], add=True)

    for p in range(npass):
        base = (bc * c + bp * p) * NPH

        @pl.when(c == 0)
        def _():
            pltpu.sync_copy(sla.at[pl.ds(base + n0, NODES_T)],
                            acc.at[pl.ds(n0, NODES_T)])

        @pl.when(c == 1)
        def _():
            pltpu.sync_copy(slb.at[pl.ds(base + n0, NODES_T)],
                            acc.at[pl.ds(n0, NODES_T)])

        plsc.subcore_barrier()

        @pl.when(c == 0)
        def _():
            process(fa, base)

        @pl.when(c == 1)
        def _():
            process(fb, base)

        plsc.subcore_barrier()
        pltpu.sync_copy(acc.at[pl.ds(n0, NODES_T)],
                        out_hbm.at[c, pl.ds(base + n0, NODES_T)])


@functools.partial(jax.jit, static_argnums=(0, 1, 2))
def _agg_call(bc, bp, npass, fa, fb, sla, slb, src1, dst1, cf1):
    f = pl.kernel(
        functools.partial(_agg_body, bc, bp, npass),
        out_type=jax.ShapeDtypeStruct((2, NP, 128), _f32),
        mesh=_MESH,
        compiler_params=_SC_CP,
        scratch_types=[
            pltpu.VMEM((ET + 2 * C,), jnp.int32),
            pltpu.VMEM((ET + 2 * C,), jnp.int32),
            pltpu.VMEM((ET + 2 * C,), _f32),
            pltpu.VMEM((1, C), jnp.int32),
            pltpu.VMEM((C, 128), _f32),
            pltpu.VMEM_SHARED((NPH, 128), _f32),
        ],
    )
    return f(fa, fb, sla, slb, src1, dst1, cf1)


_BLK = 1000


def _tc1_body(agg_ref, w_ref, b_ref, dw2_ref, h_ref, sl_ref):
    u = agg_ref[...]
    h = jnp.maximum(jnp.dot(u, w_ref[...],
                            preferred_element_type=_f32) + b_ref[0][None, :], 0.0)
    w2 = dw2_ref[...]
    h_ref[0] = h[:, :128]
    h_ref[1] = h[:, 128:]
    sl_ref[0] = h[:, :128] * w2
    sl_ref[1] = h[:, 128:] * w2


@jax.jit
def _tc1_call(agg1, W1, b1, dw2):
    b1 = b1[None, :]
    return pl.pallas_call(
        _tc1_body,
        out_shape=[jax.ShapeDtypeStruct((2, N, 128), _f32),
                   jax.ShapeDtypeStruct((2, N, 128), _f32)],
        grid=(N // _BLK,),
        in_specs=[
            pl.BlockSpec((_BLK, 128), lambda i: (i, 0)),
            pl.BlockSpec((128, 256), lambda i: (0, 0)),
            pl.BlockSpec((1, 256), lambda i: (0, 0)),
            pl.BlockSpec((_BLK, 1), lambda i: (i, 0)),
        ],
        out_specs=[pl.BlockSpec((2, _BLK, 128), lambda i: (0, i, 0)),
                   pl.BlockSpec((2, _BLK, 128), lambda i: (0, i, 0))],
    )(agg1, W1, b1, dw2)


def _tc2_body(agg_ref, w_ref, b_ref, d12_ref, h_ref, sl_ref):
    h = (jnp.dot(agg_ref[0], w_ref[0], preferred_element_type=_f32) +
         jnp.dot(agg_ref[1], w_ref[1], preferred_element_type=_f32) +
         b_ref[0][None, :])
    w2 = d12_ref[...]
    h_ref[0] = h[:, :128]
    h_ref[1] = h[:, 128:]
    sl_ref[0] = h[:, :128] * w2
    sl_ref[1] = h[:, 128:] * w2


@jax.jit
def _tc2_call(agg2, W2s, b2, d12):
    b2 = b2[None, :]
    return pl.pallas_call(
        _tc2_body,
        out_shape=[jax.ShapeDtypeStruct((2, N, 128), _f32),
                   jax.ShapeDtypeStruct((2, N, 128), _f32)],
        grid=(N // _BLK,),
        in_specs=[
            pl.BlockSpec((2, _BLK, 128), lambda i: (0, i, 0)),
            pl.BlockSpec((2, 128, 256), lambda i: (0, 0, 0)),
            pl.BlockSpec((1, 256), lambda i: (0, 0)),
            pl.BlockSpec((_BLK, 1), lambda i: (i, 0)),
        ],
        out_specs=[pl.BlockSpec((2, _BLK, 128), lambda i: (0, i, 0)),
                   pl.BlockSpec((2, _BLK, 128), lambda i: (0, i, 0))],
    )(agg2, W2s, b2, d12)


def _tc3_body(agg_ref, wmu_ref, bmu_ref, wls_ref, bls_ref, mu_ref, ls_ref):
    a0 = agg_ref[0]
    a1 = agg_ref[1]
    mu_ref[...] = (jnp.dot(a0, wmu_ref[0], preferred_element_type=_f32) +
                   jnp.dot(a1, wmu_ref[1], preferred_element_type=_f32) +
                   bmu_ref[0][None, :])
    ls_ref[...] = (jnp.dot(a0, wls_ref[0], preferred_element_type=_f32) +
                   jnp.dot(a1, wls_ref[1], preferred_element_type=_f32) +
                   bls_ref[0][None, :])


@jax.jit
def _tc3_call(agg3, Wmus, bmu, Wlss, bls):
    bmu = bmu[None, :]
    bls = bls[None, :]
    return pl.pallas_call(
        _tc3_body,
        out_shape=[jax.ShapeDtypeStruct((N, 128), _f32),
                   jax.ShapeDtypeStruct((N, 128), _f32)],
        grid=(N // _BLK,),
        in_specs=[
            pl.BlockSpec((2, _BLK, 128), lambda i: (0, i, 0)),
            pl.BlockSpec((2, 128, 128), lambda i: (0, 0, 0)),
            pl.BlockSpec((1, 128), lambda i: (0, 0)),
            pl.BlockSpec((2, 128, 128), lambda i: (0, 0, 0)),
            pl.BlockSpec((1, 128), lambda i: (0, 0)),
        ],
        out_specs=[pl.BlockSpec((_BLK, 128), lambda i: (i, 0)),
                   pl.BlockSpec((_BLK, 128), lambda i: (i, 0))],
    )(agg3, Wmus, bmu, Wlss, bls)


def kernel(x, edge_index, edge_weight, W1, b1, W2, b2, W_mu, b_mu, W_ls, b_ls):
    src = edge_index[0]
    dst = edge_index[1]
    padn = E2 - E
    zi = jnp.zeros((padn,), jnp.int32)
    src2d = jnp.concatenate([src, zi]).reshape(NCH, C)
    dst2d = jnp.concatenate([dst, zi]).reshape(NCH, C)
    ew2d = jnp.concatenate([edge_weight, jnp.zeros((padn,), _f32)]).reshape(NCH, C)

    degw_p, deg1_p = _deg_call(dst2d, ew2d)
    degw_p = degw_p.reshape(2, NP)
    deg1_p = deg1_p.reshape(2, NP)
    deg_w = degw_p[0] + degw_p[1] + 1.0
    deg_1 = deg1_p[0] + deg1_p[1] + 1.0
    dinv_w = lax.rsqrt(deg_w)
    dinv_1 = lax.rsqrt(deg_1)

    cw2d, c12d = _coef_call(src2d, dst2d, ew2d, dinv_w, dinv_1)

    dw2 = (dinv_w[:N] ** 2)[:, None]
    d12 = (dinv_1[:N] ** 2)[:, None]

    def padrows(a):
        return jnp.concatenate([a, jnp.zeros((NP - N, a.shape[1]), a.dtype)])

    src1 = src2d.reshape(E2)
    dst1 = dst2d.reshape(E2)
    cw1 = cw2d.reshape(E2)
    c11 = c12d.reshape(E2)

    sl1 = padrows(dw2 * x)
    o1 = _agg_call(1, 0, 1, x, x, sl1, sl1, src1, dst1, cw1)
    agg1 = jnp.concatenate([o1[0, :NPH], o1[1, NPH:]])[:N]
    h1, sl2 = _tc1_call(agg1, W1, b1, dw2)

    def agg_256(fh, slh, cf1):
        o = _agg_call(0, 1, 2, fh[0], fh[1], padrows(slh[0]), padrows(slh[1]),
                      src1, dst1, cf1)
        return o[:, :N]

    agg2 = agg_256(h1, sl2, cw1)
    W2s = jnp.stack([W2[:128], W2[128:]])
    h2, sl3 = _tc2_call(agg2, W2s, b2, d12)
    agg3 = agg_256(h2, sl3, c11)
    Wmus = jnp.stack([W_mu[:128], W_mu[128:]])
    Wlss = jnp.stack([W_ls[:128], W_ls[128:]])
    mu, logstd = _tc3_call(agg3, Wmus, b_mu, Wlss, b_ls)
    return (mu, logstd)

# --- scband reference (transcript-rebuilt; emitter-appended) ---
"""Pipeline reference for scband-encoder-1932735284047 (READ-ONLY COPY).

The authoritative reference and input builder live on the scoring server;
editing this copy changes nothing except your own understanding.
"""

import jax, jax.numpy as jnp
import numpy as np

N = 10000
E = 320000
IN, HID, OUT = 128, 256, 128


def gcn_conv(x, edge_index, edge_weight, W, b):
    # Faithful GCNConv: add self-loops (weight 1), symmetric normalization,
    # linear transform, scatter-add aggregation, bias.
    n = x.shape[0]
    src = edge_index[0]
    dst = edge_index[1]
    loop = jnp.arange(n, dtype=src.dtype)
    src2 = jnp.concatenate([src, loop])
    dst2 = jnp.concatenate([dst, loop])
    ew2 = jnp.concatenate([edge_weight, jnp.ones((n,), x.dtype)])
    deg = jnp.zeros((n,), x.dtype).at[dst2].add(ew2)
    dinv = jnp.where(deg > 0, jax.lax.rsqrt(jnp.maximum(deg, 1e-12)), 0.0)
    norm = dinv[src2] * ew2 * dinv[dst2]
    h = x @ W
    msg = h[src2] * norm[:, None]
    out = jnp.zeros((n, W.shape[1]), x.dtype).at[dst2].add(msg)
    return out + b


def setup_inputs(seed: int = 0) -> dict:
    key = jax.random.key(seed)
    ks = jax.random.split(key, 12)
    x = jax.random.normal(ks[0], (N, IN), jnp.float32)
    edge_index = jax.random.randint(ks[1], (2, E), 0, N, dtype=jnp.int32)
    edge_weight = jax.random.uniform(ks[2], (E,), jnp.float32)

    def glorot(k, fan_in, fan_out):
        lim = np.sqrt(6.0 / (fan_in + fan_out))
        return jax.random.uniform(k, (fan_in, fan_out), jnp.float32, -lim, lim)

    return {
        "x": x,
        "edge_index": edge_index,
        "edge_weight": edge_weight,
        "W1": glorot(ks[3], IN, HID),
        "b1": jnp.zeros((HID,), jnp.float32),
        "W2": glorot(ks[4], HID, HID),
        "b2": jnp.zeros((HID,), jnp.float32),
        "W_mu": glorot(ks[5], HID, OUT),
        "b_mu": jnp.zeros((OUT,), jnp.float32),
        "W_ls": glorot(ks[6], HID, OUT),
        "b_ls": jnp.zeros((OUT,), jnp.float32),
    }


def reference(x, edge_index, edge_weight, W1, b1, W2, b2, W_mu, b_mu, W_ls, b_ls):
    h = jax.nn.relu(gcn_conv(x, edge_index, edge_weight, W1, b1))
    # dropout is identity in eval mode (self.training == False)
    h = gcn_conv(h, edge_index, edge_weight, W2, b2)
    # conv_mu / conv_logstd are called without edge_weight -> implicit weight 1
    ew_ones = jnp.ones((edge_index.shape[1],), x.dtype)
    mu = gcn_conv(h, edge_index, ew_ones, W_mu, b_mu)
    logstd = gcn_conv(h, edge_index, ew_ones, W_ls, b_ls)
    return (mu, logstd)

if __name__ == "__main__":
    import jax
    _d = setup_inputs()
    print(jax.jit(kernel)(*tuple(_d.values())))

</pallas_src>

<mosaic_0001>
#map = affine_map<(d0, d1) -> (0, 0)>
#map1 = affine_map<(d0, d1) -> (0, 0, 0)>
module attributes {stable_mosaic.version = 14 : i64} {
  func.func @_deg_body(%arg0: i32, %arg1: i32, %arg2: memref<2560x128xi32, #tpu.memory_space<hbm>>, %arg3: memref<2560x128xf32, #tpu.memory_space<hbm>>, %arg4: memref<2x80x128xf32, #tpu.memory_space<hbm>>, %arg5: memref<2x80x128xf32, #tpu.memory_space<hbm>>, %arg6: memref<80x128xi32, #tpu.memory_space<vmem>>, %arg7: memref<80x128xf32, #tpu.memory_space<vmem>>, %arg8: memref<80x128xf32, #tpu.memory_space<vmem>>, %arg9: memref<80x128xf32, #tpu.memory_space<vmem>>, %arg10: memref<80xi32, #tpu.memory_space<vmem>>, %arg11: memref<5x128xf32, #tpu.memory_space<vmem>>, %arg12: memref<80x128xf32, #tpu.memory_space<vmem_shared>>, %arg13: memref<80x128xf32, #tpu.memory_space<vmem_shared>>) attributes {dimension_semantics = [#tpu.dimension_semantics<core_parallel>, #tpu.dimension_semantics<subcore_parallel>], iteration_bounds = array<i64: 2, 16>, scalar_prefetch = 0 : i64, scratch_operands = 8 : i64, tpu.core_type = #tpu.core_type<sc_vector_subcore>, window_params = [{transform_indices = #map}, {transform_indices = #map}, {transform_indices = #map1}, {transform_indices = #map1}]} {
    %mul3A = arith.constant 16 : i32
    %mul3A_0 = arith.muli %arg0, %mul3A : i32
    %add3A = arith.addi %mul3A_0, %arg1 : i32
    %mul3A_1 = arith.constant 80 : i32
    %mul3A_2 = arith.muli %add3A, %mul3A_1 : i32
    "tpu.region"() ({
      %run_scoped3A = tpu.sem_alloc : memref<!tpu.dma_semaphore, #tpu.memory_space<semaphore_mem>>
      %dma_start3A = arith.constant 0 : i32
      %dma_start3A_30 = tpu.memref_slice %arg2[%mul3A_2, %dma_start3A] : memref<2560x128xi32, #tpu.memory_space<hbm>> -> memref<80x128xi32, #tpu.memory_space<hbm>>
      %dma_start3A_31 = arith.constant 0 : i32
      %dma_start3A_32 = tpu.memref_slice %arg2[%mul3A_2, %dma_start3A_31] : memref<2560x128xi32, #tpu.memory_space<hbm>> -> memref<80x128xi32, #tpu.memory_space<hbm>>
      tpu.enqueue_dma source(%dma_start3A_32 : memref<80x128xi32, #tpu.memory_space<hbm>>) target(%arg6 : memref<80x128xi32, #tpu.memory_space<vmem>>) target_semaphore(%run_scoped3A : memref<!tpu.dma_semaphore, #tpu.memory_space<semaphore_mem>>)
      %dma_wait3A = arith.constant 0 : i32
      %dma_wait3A_33 = tpu.memref_slice %arg2[%mul3A_2, %dma_wait3A] : memref<2560x128xi32, #tpu.memory_space<hbm>> -> memref<80x128xi32, #tpu.memory_space<hbm>>
      %dma_wait3A_34 = arith.constant 0 : i32
      %dma_wait3A_35 = tpu.memref_slice %arg2[%mul3A_2, %dma_wait3A_34] : memref<2560x128xi32, #tpu.memory_space<hbm>> -> memref<80x128xi32, #tpu.memory_space<hbm>>
      tpu.wait_dma2 semaphore(%run_scoped3A : memref<!tpu.dma_semaphore, #tpu.memory_space<semaphore_mem>>) src(%dma_wait3A_35 : memref<80x128xi32, #tpu.memory_space<hbm>>) dst(%arg6 : memref<80x128xi32, #tpu.memory_space<vmem>>)
      tpu.yield
    }) : () -> ()
    "tpu.region"() ({
      %run_scoped3A = tpu.sem_alloc : memref<!tpu.dma_semaphore, #tpu.memory_space<semaphore_mem>>
      %dma_start3A = arith.constant 0 : i32
      %dma_start3A_30 = tpu.memref_slice %arg3[%mul3A_2, %dma_start3A] : memref<2560x128xf32, #tpu.memory_space<hbm>> -> memref<80x128xf32, #tpu.memory_space<hbm>>
      %dma_start3A_31 = arith.constant 0 : i32
      %dma_start3A_32 = tpu.memref_slice %arg3[%mul3A_2, %dma_start3A_31] : memref<2560x128xf32, #tpu.memory_space<hbm>> -> memref<80x128xf32, #tpu.memory_space<hbm>>
      tpu.enqueue_dma source(%dma_start3A_32 : memref<80x128xf32, #tpu.memory_space<hbm>>) target(%arg7 : memref<80x128xf32, #tpu.memory_space<vmem>>) target_semaphore(%run_scoped3A : memref<!tpu.dma_semaphore, #tpu.memory_space<semaphore_mem>>)
      %dma_wait3A = arith.constant 0 : i32
      %dma_wait3A_33 = tpu.memref_slice %arg3[%mul3A_2, %dma_wait3A] : memref<2560x128xf32, #tpu.memory_space<hbm>> -> memref<80x128xf32, #tpu.memory_space<hbm>>
      %dma_wait3A_34 = arith.constant 0 : i32
      %dma_wait3A_35 = tpu.memref_slice %arg3[%mul3A_2, %dma_wait3A_34] : memref<2560x128xf32, #tpu.memory_space<hbm>> -> memref<80x128xf32, #tpu.memory_space<hbm>>
      tpu.wait_dma2 semaphore(%run_scoped3A : memref<!tpu.dma_semaphore, #tpu.memory_space<semaphore_mem>>) src(%dma_wait3A_35 : memref<80x128xf32, #tpu.memory_space<hbm>>) dst(%arg7 : memref<80x128xf32, #tpu.memory_space<vmem>>)
      tpu.yield
    }) : () -> ()
    %broadcast_in_dim3A = arith.constant 0.000000e+00 : f32
    %broadcast_in_dim3A_3 = vector.broadcast %broadcast_in_dim3A : f32 to vector<16xf32>
    %broadcast_in_dim3A_4 = arith.constant 1.000000e+00 : f32
    %broadcast_in_dim3A_5 = vector.broadcast %broadcast_in_dim3A_4 : f32 to vector<16xf32>
    %scan3A = arith.constant 0 : i32
    %scan3A_6 = arith.constant 80 : i32
    %scan3A_7 = arith.addi %scan3A, %scan3A_6 : i32
    %scan3A_8 = arith.constant 1 : i32
    scf.for %scan3A_30 = %scan3A to %scan3A_7 step %scan3A_8  : i32 {
      %mul3A_31 = arith.constant 1 : i32
      %mul3A_32 = arith.muli %scan3A_30, %mul3A_31 : i32
      %add3A_33 = arith.constant 0 : i32
      %add3A_34 = arith.addi %add3A_33, %mul3A_32 : i32
      %swap3A = arith.index_cast %add3A_34 : i32 to index
      %swap3A_35 = arith.constant 0 : index
      %swap3A_36 = tpu.vector_load %arg8[%swap3A, %swap3A_35] {strides = array<i32>} : memref<80x128xf32, #tpu.memory_space<vmem>>, vector<16xf32>,
      tpu.vector_store %arg8[%swap3A, %swap3A_35], %broadcast_in_dim3A_3 {strides = array<i32>} : memref<80x128xf32, #tpu.memory_space<vmem>>, vector<16xf32>,
      %swap3A_37 = arith.index_cast %add3A_34 : i32 to index
      %swap3A_38 = arith.constant 0 : index
      %swap3A_39 = tpu.vector_load %arg9[%swap3A_37, %swap3A_38] {strides = array<i32>} : memref<80x128xf32, #tpu.memory_space<vmem>>, vector<16xf32>,
      tpu.vector_store %arg9[%swap3A_37, %swap3A_38], %broadcast_in_dim3A_3 {strides = array<i32>} : memref<80x128xf32, #tpu.memory_space<vmem>>, vector<16xf32>,
      %swap3A_40 = arith.index_cast %add3A_34 : i32 to index
      %swap3A_41 = arith.constant 16 : index
      %swap3A_42 = tpu.vector_load %arg8[%swap3A_40, %swap3A_41] {strides = array<i32>} : memref<80x128xf32, #tpu.memory_space<vmem>>, vector<16xf32>,
      tpu.vector_store %arg8[%swap3A_40, %swap3A_41], %broadcast_in_dim3A_3 {strides = array<i32>} : memref<80x128xf32, #tpu.memory_space<vmem>>, vector<16xf32>,
      %swap3A_43 = arith.index_cast %add3A_34 : i32 to index
      %swap3A_44 = arith.constant 16 : index
      %swap3A_45 = tpu.vector_load %arg9[%swap3A_43, %swap3A_44] {strides = array<i32>} : memref<80x128xf32, #tpu.memory_space<vmem>>, vector<16xf32>,
      tpu.vector_store %arg9[%swap3A_43, %swap3A_44], %broadcast_in_dim3A_3 {strides = array<i32>} : memref<80x128xf32, #tpu.memory_space<vmem>>, vector<16xf32>,
      %swap3A_46 = arith.index_cast %add3A_34 : i32 to index
      %swap3A_47 = arith.constant 32 : index
      %swap3A_48 = tpu.vector_load %arg8[%swap3A_46, %swap3A_47] {strides = array<i32>} : memref<80x128xf32, #tpu.memory_space<vmem>>, vector<16xf32>,
      tpu.vector_store %arg8[%swap3A_46, %swap3A_47], %broadcast_in_dim3A_3 {strides = array<i32>} : memref<80x128xf32, #tpu.memory_space<vmem>>, vector<16xf32>,
      %swap3A_49 = arith.index_cast %add3A_34 : i32 to index
      %swap3A_50 = arith.constant 32 : index
      %swap3A_51 = tpu.vector_load %arg9[%swap3A_49, %swap3A_50] {strides = array<i32>} : memref<80x128xf32, #tpu.memory_space<vmem>>, vector<16xf32>,
      tpu.vector_store %arg9[%swap3A_49, %swap3A_50], %broadcast_in_dim3A_3 {strides = array<i32>} : memref<80x128xf32, #tpu.memory_space<vmem>>, vector<16xf32>,
      %swap3A_52 = arith.index_cast %add3A_34 : i32 to index
      %swap3A_53 = arith.constant 48 : index
      %swap3A_54 = tpu.vector_load %arg8[%swap3A_52, %swap3A_53] {strides = array<i32>} : memref<80x128xf32, #tpu.memory_space<vmem>>, vector<16xf32>,
      tpu.vector_store %arg8[%swap3A_52, %swap3A_53], %broadcast_in_dim3A_3 {strides = array<i32>} : memref<80x128xf32, #tpu.memory_space<vmem>>, vector<16xf32>,
      %swap3A_55 = arith.index_cast %add3A_34 : i32 to index
      %swap3A_56 = arith.constant 48 : index
      %swap3A_57 = tpu.vector_load %arg9[%swap3A_55, %swap3A_56] {strides = array<i32>} : memref<80x128xf32, #tpu.memory_space<vmem>>, vector<16xf32>,
      tpu.vector_store %arg9[%swap3A_55, %swap3A_56], %broadcast_in_dim3A_3 {strides = array<i32>} : memref<80x128xf32, #tpu.memory_space<vmem>>, vector<16xf32>,
      %swap3A_58 = arith.index_cast %add3A_34 : i32 to index
      %swap3A_59 = arith.constant 64 : index
      %swap3A_60 = tpu.vector_load %arg8[%swap3A_58, %swap3A_59] {strides = array<i32>} : memref<80x128xf32, #tpu.memory_space<vmem>>, vector<16xf32>,
      tpu.vector_store %arg8[%swap3A_58, %swap3A_59], %broadcast_in_dim3A_3 {strides = array<i32>} : memref<80x128xf32, #tpu.memory_space<vmem>>, vector<16xf32>,
      %swap3A_61 = arith.index_cast %add3A_34 : i32 to index
      %swap3A_62 = arith.constant 64 : index
      %swap3A_63 = tpu.vector_load %arg9[%swap3A_61, %swap3A_62] {strides = array<i32>} : memref<80x128xf32, #tpu.memory_space<vmem>>, vector<16xf32>,
      tpu.vector_store %arg9[%swap3A_61, %swap3A_62], %broadcast_in_dim3A_3 {strides = array<i32>} : memref<80x128xf32, #tpu.memory_space<vmem>>, vector<16xf32>,
      %swap3A_64 = arith.index_cast %add3A_34 : i32 to index
      %swap3A_65 = arith.constant 80 : index
      %swap3A_66 = tpu.vector_load %arg8[%swap3A_64, %swap3A_65] {strides = array<i32>} : memref<80x128xf32, #tpu.memory_space<vmem>>, vector<16xf32>,
      tpu.vector_store %arg8[%swap3A_64, %swap3A_65], %broadcast_in_dim3A_3 {strides = array<i32>} : memref<80x128xf32, #tpu.memory_space<vmem>>, vector<16xf32>,
      %swap3A_67 = arith.index_cast %add3A_34 : i32 to index
      %swap3A_68 = arith.constant 80 : index
      %swap3A_69 = tpu.vector_load %arg9[%swap3A_67, %swap3A_68] {strides = array<i32>} : memref<80x128xf32, #tpu.memory_space<vmem>>, vector<16xf32>,
      tpu.vector_store %arg9[%swap3A_67, %swap3A_68], %broadcast_in_dim3A_3 {strides = array<i32>} : memref<80x128xf32, #tpu.memory_space<vmem>>, vector<16xf32>,
      %swap3A_70 = arith.index_cast %add3A_34 : i32 to index
      %swap3A_71 = arith.constant 96 : index
      %swap3A_72 = tpu.vector_load %arg8[%swap3A_70, %swap3A_71] {strides = array<i32>} : memref<80x128xf32, #tpu.memory_space<vmem>>, vector<16xf32>,
      tpu.vector_store %arg8[%swap3A_70, %swap3A_71], %broadcast_in_dim3A_3 {strides = array<i32>} : memref<80x128xf32, #tpu.memory_space<vmem>>, vector<16xf32>,
      %swap3A_73 = arith.index_cast %add3A_34 : i32 to index
      %swap3A_74 = arith.constant 96 : index
      %swap3A_75 = tpu.vector_load %arg9[%swap3A_73, %swap3A_74] {strides = array<i32>} : memref<80x128xf32, #tpu.memory_space<vmem>>, vector<16xf32>,
      tpu.vector_store %arg9[%swap3A_73, %swap3A_74], %broadcast_in_dim3A_3 {strides = array<i32>} : memref<80x128xf32, #tpu.memory_space<vmem>>, vector<16xf32>,
      %swap3A_76 = arith.index_cast %add3A_34 : i32 to index
      %swap3A_77 = arith.constant 112 : index
      %swap3A_78 = tpu.vector_load %arg8[%swap3A_76, %swap3A_77] {strides = array<i32>} : memref<80x128xf32, #tpu.memory_space<vmem>>, vector<16xf32>,
      tpu.vector_store %arg8[%swap3A_76, %swap3A_77], %broadcast_in_dim3A_3 {strides = array<i32>} : memref<80x128xf32, #tpu.memory_space<vmem>>, vector<16xf32>,
      %swap3A_79 = arith.index_cast %add3A_34 : i32 to index
      %swap3A_80 = arith.constant 112 : index
      %swap3A_81 = tpu.vector_load %arg9[%swap3A_79, %swap3A_80] {strides = array<i32>} : memref<80x128xf32, #tpu.memory_space<vmem>>, vector<16xf32>,
      tpu.vector_store %arg9[%swap3A_79, %swap3A_80], %broadcast_in_dim3A_3 {strides = array<i32>} : memref<80x128xf32, #tpu.memory_space<vmem>>, vector<16xf32>,
    }
    %scan3A_9 = arith.constant 80 : i32
    %scan3A_10 = arith.constant 0 : i32
    %scan3A_11 = arith.constant 80 : i32
    %scan3A_12 = arith.addi %scan3A_10, %scan3A_11 : i32
    %scan3A_13 = arith.constant 1 : i32
    scf.for %scan3A_30 = %scan3A_10 to %scan3A_12 step %scan3A_13  : i32 {
      %mul3A_31 = arith.constant 1 : i32
      %mul3A_32 = arith.muli %scan3A_30, %mul3A_31 : i32
      %add3A_33 = arith.constant 0 : i32
      %add3A_34 = arith.addi %add3A_33, %mul3A_32 : i32
      %get3A = arith.index_cast %add3A_34 : i32 to index
      %get3A_35 = arith.constant 0 : index
      %get3A_36 = tpu.vector_load %arg6[%get3A, %get3A_35] {strides = array<i32>} : memref<80x128xi32, #tpu.memory_space<vmem>>, vector<16xi32>,
      %shift_right_logical3A = arith.constant 7 : i32
      %shift_right_logical3A_37 = vector.broadcast %shift_right_logical3A : i32 to vector<16xi32>
      %shift_right_logical3A_38 = arith.shrui %get3A_36, %shift_right_logical3A_37 : vector<16xi32>
      %and3A = arith.constant 127 : i32
      %and3A_39 = vector.broadcast %and3A : i32 to vector<16xi32>
      %and3A_40 = arith.andi %get3A_36, %and3A_39 : vector<16xi32>
      %get3A_41 = arith.index_cast %add3A_34 : i32 to index
      %get3A_42 = arith.constant 0 : index
      %get3A_43 = tpu.vector_load %arg7[%get3A_41, %get3A_42] {strides = array<i32>} : memref<80x128xf32, #tpu.memory_space<vmem>>, vector<16xf32>,
      tpu.vector_store_idx %arg8[%shift_right_logical3A_38, %and3A_40], %get3A_43 {add = true} : memref<80x128xf32, #tpu.memory_space<vmem>>[vector<16xi32>, vector<16xi32>], vector<16xf32>,
      %add3A_44 = arith.addi %mul3A_2, %add3A_34 : i32
      %mul3A_45 = arith.constant 128 : i32
      %mul3A_46 = arith.muli %add3A_44, %mul3A_45 : i32
      %add3A_47 = arith.constant 0 : i32
      %add3A_48 = arith.addi %mul3A_46, %add3A_47 : i32
      %iota3A = tpu.iota {dimensions = array<i32: 0>} : vector<16xi32>
      %add3A_49 = vector.broadcast %add3A_48 : i32 to vector<16xi32>
      %add3A_50 = arith.addi %iota3A, %add3A_49 : vector<16xi32>
      %lt3A_51 = arith.constant 320000 : i32
      %lt3A_52 = vector.broadcast %lt3A_51 : i32 to vector<16xi32>
      %lt3A_53 = arith.cmpi slt, %add3A_50, %lt3A_52 : vector<16xi32>
      tpu.vector_store_idx %arg9[%shift_right_logical3A_38, %and3A_40], %broadcast_in_dim3A_5 masked %lt3A_53 {add = true} : memref<80x128xf32, #tpu.memory_space<vmem>>[vector<16xi32>, vector<16xi32>], vector<16xf32>, vector<16xi1>
      %get3A_54 = arith.index_cast %add3A_34 : i32 to index
      %get3A_55 = arith.constant 16 : index
      %get3A_56 = tpu.vector_load %arg6[%get3A_54, %get3A_55] {strides = array<i32>} : memref<80x128xi32, #tpu.memory_space<vmem>>, vector<16xi32>,
      %shift_right_logical3A_57 = arith.constant 7 : i32
      %shift_right_logical3A_58 = vector.broadcast %shift_right_logical3A_57 : i32 to vector<16xi32>
      %shift_right_logical3A_59 = arith.shrui %get3A_56, %shift_right_logical3A_58 : vector<16xi32>
      %and3A_60 = arith.constant 127 : i32
      %and3A_61 = vector.broadcast %and3A_60 : i32 to vector<16xi32>
      %and3A_62 = arith.andi %get3A_56, %and3A_61 : vector<16xi32>
      %get3A_63 = arith.index_cast %add3A_34 : i32 to index
      %get3A_64 = arith.constant 16 : index
      %get3A_65 = tpu.vector_load %arg7[%get3A_63, %get3A_64] {strides = array<i32>} : memref<80x128xf32, #tpu.memory_space<vmem>>, vector<16xf32>,
      tpu.vector_store_idx %arg8[%shift_right_logical3A_59, %and3A_62], %get3A_65 {add = true} : memref<80x128xf32, #tpu.memory_space<vmem>>[vector<16xi32>, vector<16xi32>], vector<16xf32>,
      %add3A_66 = arith.addi %mul3A_2, %add3A_34 : i32
      %mul3A_67 = arith.constant 128 : i32
      %mul3A_68 = arith.muli %add3A_66, %mul3A_67 : i32
      %add3A_69 = arith.constant 16 : i32
      %add3A_70 = arith.addi %mul3A_68, %add3A_69 : i32
      %iota3A_71 = tpu.iota {dimensions = array<i32: 0>} : vector<16xi32>
      %add3A_72 = vector.broadcast %add3A_70 : i32 to vector<16xi32>
      %add3A_73 = arith.addi %iota3A_71, %add3A_72 : vector<16xi32>
      %lt3A_74 = arith.constant 320000 : i32
      %lt3A_75 = vector.broadcast %lt3A_74 : i32 to vector<16xi32>
      %lt3A_76 = arith.cmpi slt, %add3A_73, %lt3A_75 : vector<16xi32>
      tpu.vector_store_idx %arg9[%shift_right_logical3A_59, %and3A_62], %broadcast_in_dim3A_5 masked %lt3A_76 {add = true} : memref<80x128xf32, #tpu.memory_space<vmem>>[vector<16xi32>, vector<16xi32>], vector<16xf32>, vector<16xi1>
      %get3A_77 = arith.index_cast %add3A_34 : i32 to index
      %get3A_78 = arith.constant 32 : index
      %get3A_79 = tpu.vector_load %arg6[%get3A_77, %get3A_78] {strides = array<i32>} : memref<80x128xi32, #tpu.memory_space<vmem>>, vector<16xi32>,
      %shift_right_logical3A_80 = arith.constant 7 : i32
      %shift_right_logical3A_81 = vector.broadcast %shift_right_logical3A_80 : i32 to vector<16xi32>
      %shift_right_logical3A_82 = arith.shrui %get3A_79, %shift_right_logical3A_81 : vector<16xi32>
      %and3A_83 = arith.constant 127 : i32
      %and3A_84 = vector.broadcast %and3A_83 : i32 to vector<16xi32>
      %and3A_85 = arith.andi %get3A_79, %and3A_84 : vector<16xi32>
      %get3A_86 = arith.index_cast %add3A_34 : i32 to index
      %get3A_87 = arith.constant 32 : index
      %get3A_88 = tpu.vector_load %arg7[%get3A_86, %get3A_87] {strides = array<i32>} : memref<80x128xf32, #tpu.memory_space<vmem>>, vector<16xf32>,
      tpu.vector_store_idx %arg8[%shift_right_logical3A_82, %and3A_85], %get3A_88 {add = true} : memref<80x128xf32, #tpu.memory_space<vmem>>[vector<16xi32>, vector<16xi32>], vector<16xf32>,
      %add3A_89 = arith.addi %mul3A_2, %add3A_34 : i32
      %mul3A_90 = arith.constant 128 : i32
      %mul3A_91 = arith.muli %add3A_89, %mul3A_90 : i32
      %add3A_92 = arith.constant 32 : i32
      %add3A_93 = arith.addi %mul3A_91, %add3A_92 : i32
      %iota3A_94 = tpu.iota {dimensions = array<i32: 0>} : vector<16xi32>
      %add3A_95 = vector.broadcast %add3A_93 : i32 to vector<16xi32>
      %add3A_96 = arith.addi %iota3A_94, %add3A_95 : vector<16xi32>
      %lt3A_97 = arith.constant 320000 : i32
      %lt3A_98 = vector.broadcast %lt3A_97 : i32 to vector<16xi32>
      %lt3A_99 = arith.cmpi slt, %add3A_96, %lt3A_98 : vector<16xi32>
      tpu.vector_store_idx %arg9[%shift_right_logical3A_82, %and3A_85], %broadcast_in_dim3A_5 masked %lt3A_99 {add = true} : memref<80x128xf32, #tpu.memory_space<vmem>>[vector<16xi32>, vector<16xi32>], vector<16xf32>, vector<16xi1>
      %get3A_100 = arith.index_cast %add3A_34 : i32 to index
      %get3A_101 = arith.constant 48 : index
      %get3A_102 = tpu.vector_load %arg6[%get3A_100, %get3A_101] {strides = array<i32>} : memref<80x128xi32, #tpu.memory_space<vmem>>, vector<16xi32>,
      %shift_right_logical3A_103 = arith.constant 7 : i32
      %shift_right_logical3A_104 = vector.broadcast %shift_right_logical3A_103 : i32 to vector<16xi32>
      %shift_right_logical3A_105 = arith.shrui %get3A_102, %shift_right_logical3A_104 : vector<16xi32>
      %and3A_106 = arith.constant 127 : i32
      %and3A_107 = vector.broadcast %and3A_106 : i32 to vector<16xi32>
      %and3A_108 = arith.andi %get3A_102, %and3A_107 : vector<16xi32>
      %get3A_109 = arith.index_cast %add3A_34 : i32 to index
      %get3A_110 = arith.constant 48 : index
      %get3A_111 = tpu.vector_load %arg7[%get3A_109, %get3A_110] {strides = array<i32>} : memref<80x128xf32, #tpu.memory_space<vmem>>, vector<16xf32>,
      tpu.vector_store_idx %arg8[%shift_right_logical3A_105, %and3A_108], %get3A_111 {add = true} : memref<80x128xf32, #tpu.memory_space<vmem>>[vector<16xi32>, vector<16xi32>], vector<16xf32>,
      %add3A_112 = arith.addi %mul3A_2, %add3A_34 : i32
      %mul3A_113 = arith.constant 128 : i32
      %mul3A_114 = arith.muli %add3A_112, %mul3A_113 : i32
      %add3A_115 = arith.constant 48 : i32
      %add3A_116 = arith.addi %mul3A_114, %add3A_115 : i32
      %iota3A_117 = tpu.iota {dimensions = array<i32: 0>} : vector<16xi32>
      %add3A_118 = vector.broadcast %add3A_116 : i32 to vector<16xi32>
      %add3A_119 = arith.addi %iota3A_117, %add3A_118 : vector<16xi32>
      %lt3A_120 = arith.constant 320000 : i32
      %lt3A_121 = vector.broadcast %lt3A_120 : i32 to vector<16xi32>
      %lt3A_122 = arith.cmpi slt, %add3A_119, %lt3A_121 : vector<16xi32>
      tpu.vector_store_idx %arg9[%shift_right_logical3A_105, %and3A_108], %broadcast_in_dim3A_5 masked %lt3A_122 {add = true} : memref<80x128xf32, #tpu.memory_space<vmem>>[vector<16xi32>, vector<16xi32>], vector<16xf32>, vector<16xi1>
      %get3A_123 = arith.index_cast %add3A_34 : i32 to index
      %get3A_124 = arith.constant 64 : index
      %get3A_125 = tpu.vector_load %arg6[%get3A_123, %get3A_124] {strides = array<i32>} : memref<80x128xi32, #tpu.memory_space<vmem>>, vector<16xi32>,
      %shift_right_logical3A_126 = arith.constant 7 : i32
      %shift_right_logical3A_127 = vector.broadcast %shift_right_logical3A_126 : i32 to vector<16xi32>
      %shift_right_logical3A_128 = arith.shrui %get3A_125, %shift_right_logical3A_127 : vector<16xi32>
      %and3A_129 = arith.constant 127 : i32
      %and3A_130 = vector.broadcast %and3A_129 : i32 to vector<16xi32>
      %and3A_131 = arith.andi %get3A_125, %and3A_130 : vector<16xi32>
      %get3A_132 = arith.index_cast %add3A_34 : i32 to index
      %get3A_133 = arith.constant 64 : index
      %get3A_134 = tpu.vector_load %arg7[%get3A_132, %get3A_133] {strides = array<i32>} : memref<80x128xf32, #tpu.memory_space<vmem>>, vector<16xf32>,
      tpu.vector_store_idx %arg8[%shift_right_logical3A_128, %and3A_131], %get3A_134 {add = true} : memref<80x128xf32, #tpu.memory_space<vmem>>[vector<16xi32>, vector<16xi32>], vector<16xf32>,
      %add3A_135 = arith.addi %mul3A_2, %add3A_34 : i32
      %mul3A_136 = arith.constant 128 : i32
      %mul3A_137 = arith.muli %add3A_135, %mul3A_136 : i32
      %add3A_138 = arith.constant 64 : i32
      %add3A_139 = arith.addi %mul3A_137, %add3A_138 : i32
      %iota3A_140 = tpu.iota {dimensions = array<i32: 0>} : vector<16xi32>
      %add3A_141 = vector.broadcast %add3A_139 : i32 to vector<16xi32>
      %add3A_142 = arith.addi %iota3A_140, %add3A_141 : vector<16xi32>
      %lt3A_143 = arith.constant 320000 : i32
      %lt3A_144 = vector.broadcast %lt3A_143 : i32 to vector<16xi32>
      %lt3A_145 = arith.cmpi slt, %add3A_142, %lt3A_144 : vector<16xi32>
      tpu.vector_store_idx %arg9[%shift_right_logical3A_128, %and3A_131], %broadcast_in_dim3A_5 masked %lt3A_145 {add = true} : memref<80x128xf32, #tpu.memory_space<vmem>>[vector<16xi32>, vector<16xi32>], vector<16xf32>, vector<16xi1>
      %get3A_146 = arith.index_cast %add3A_34 : i32 to index
      %get3A_147 = arith.constant 80 : index
      %get3A_148 = tpu.vector_load %arg6[%get3A_146, %get3A_147] {strides = array<i32>} : memref<80x128xi32, #tpu.memory_space<vmem>>, vector<16xi32>,
      %shift_right_logical3A_149 = arith.constant 7 : i32
      %shift_right_logical3A_150 = vector.broadcast %shift_right_logical3A_149 : i32 to vector<16xi32>
      %shift_right_logical3A_151 = arith.shrui %get3A_148, %shift_right_logical3A_150 : vector<16xi32>
      %and3A_152 = arith.constant 127 : i32
      %and3A_153 = vector.broadcast %and3A_152 : i32 to vector<16xi32>
      %and3A_154 = arith.andi %get3A_148, %and3A_153 : vector<16xi32>
      %get3A_155 = arith.index_cast %add3A_34 : i32 to index
      %get3A_156 = arith.constant 80 : index
      %get3A_157 = tpu.vector_load %arg7[%get3A_155, %get3A_156] {strides = array<i32>} : memref<80x128xf32, #tpu.memory_space<vmem>>, vector<16xf32>,
      tpu.vector_store_idx %arg8[%shift_right_logical3A_151, %and3A_154], %get3A_157 {add = true} : memref<80x128xf32, #tpu.memory_space<vmem>>[vector<16xi32>, vector<16xi32>], vector<16xf32>,
      %add3A_158 = arith.addi %mul3A_2, %add3A_34 : i32
      %mul3A_159 = arith.constant 128 : i32
      %mul3A_160 = arith.muli %add3A_158, %mul3A_159 : i32
      %add3A_161 = arith.constant 80 : i32
      %add3A_162 = arith.addi %mul3A_160, %add3A_161 : i32
      %iota3A_163 = tpu.iota {dimensions = array<i32: 0>} : vector<16xi32>
      %add3A_164 = vector.broadcast %add3A_162 : i32 to vector<16xi32>
      %add3A_165 = arith.addi %iota3A_163, %add3A_164 : vector<16xi32>
      %lt3A_166 = arith.constant 320000 : i32
      %lt3A_167 = vector.broadcast %lt3A_166 : i32 to vector<16xi32>
      %lt3A_168 = arith.cmpi slt, %add3A_165, %lt3A_167 : vector<16xi32>
      tpu.vector_store_idx %arg9[%shift_right_logical3A_151, %and3A_154], %broadcast_in_dim3A_5 masked %lt3A_168 {add = true} : memref<80x128xf32, #tpu.memory_space<vmem>>[vector<16xi32>, vector<16xi32>], vector<16xf32>, vector<16xi1>
      %get3A_169 = arith.index_cast %add3A_34 : i32 to index
      %get3A_170 = arith.constant 96 : index
      %get3A_171 = tpu.vector_load %arg6[%get3A_169, %get3A_170] {strides = array<i32>} : memref<80x128xi32, #tpu.memory_space<vmem>>, vector<16xi32>,
      %shift_right_logical3A_172 = arith.constant 7 : i32
      %shift_right_logical3A_173 = vector.broadcast %shift_right_logical3A_172 : i32 to vector<16xi32>
      %shift_right_logical3A_174 = arith.shrui %get3A_171, %shift_right_logical3A_173 : vector<16xi32>
      %and3A_175 = arith.constant 127 : i32
      %and3A_176 = vector.broadcast %and3A_175 : i32 to vector<16xi32>
      %and3A_177 = arith.andi %get3A_171, %and3A_176 : vector<16xi32>
      %get3A_178 = arith.index_cast %add3A_34 : i32 to index
      %get3A_179 = arith.constant 96 : index
      %get3A_180 = tpu.vector_load %arg7[%get3A_178, %get3A_179] {strides = array<i32>} : memref<80x128xf32, #tpu.memory_space<vmem>>, vector<16xf32>,
      tpu.vector_store_idx %arg8[%shift_right_logical3A_174, %and3A_177], %get3A_180 {add = true} : memref<80x128xf32, #tpu.memory_space<vmem>>[vector<16xi32>, vector<16xi32>], vector<16xf32>,
      %add3A_181 = arith.addi %mul3A_2, %add3A_34 : i32
      %mul3A_182 = arith.constant 128 : i32
      %mul3A_183 = arith.muli %add3A_181, %mul3A_182 : i32
      %add3A_184 = arith.constant 96 : i32
      %add3A_185 = arith.addi %mul3A_183, %add3A_184 : i32
      %iota3A_186 = tpu.iota {dimensions = array<i32: 0>} : vector<16xi32>
      %add3A_187 = vector.broadcast %add3A_185 : i32 to vector<16xi32>
      %add3A_188 = arith.addi %iota3A_186, %add3A_187 : vector<16xi32>
      %lt3A_189 = arith.constant 320000 : i32
      %lt3A_190 = vector.broadcast %lt3A_189 : i32 to vector<16xi32>
      %lt3A_191 = arith.cmpi slt, %add3A_188, %lt3A_190 : vector<16xi32>
      tpu.vector_store_idx %arg9[%shift_right_logical3A_174, %and3A_177], %broadcast_in_dim3A_5 masked %lt3A_191 {add = true} : memref<80x128xf32, #tpu.memory_space<vmem>>[vector<16xi32>, vector<16xi32>], vector<16xf32>, vector<16xi1>
      %get3A_192 = arith.index_cast %add3A_34 : i32 to index
      %get3A_193 = arith.constant 112 : index
      %get3A_194 = tpu.vector_load %arg6[%get3A_192, %get3A_193] {strides = array<i32>} : memref<80x128xi32, #tpu.memory_space<vmem>>, vector<16xi32>,
      %shift_right_logical3A_195 = arith.constant 7 : i32
      %shift_right_logical3A_196 = vector.broadcast %shift_right_logical3A_195 : i32 to vector<16xi32>
      %shift_right_logical3A_197 = arith.shrui %get3A_194, %shift_right_logical3A_196 : vector<16xi32>
      %and3A_198 = arith.constant 127 : i32
      %and3A_199 = vector.broadcast %and3A_198 : i32 to vector<16xi32>
      %and3A_200 = arith.andi %get3A_194, %and3A_199 : vector<16xi32>
      %get3A_201 = arith.index_cast %add3A_34 : i32 to index
      %get3A_202 = arith.constant 112 : index
      %get3A_203 = tpu.vector_load %arg7[%get3A_201, %get3A_202] {strides = array<i32>} : memref<80x128xf32, #tpu.memory_space<vmem>>, vector<16xf32>,
      tpu.vector_store_idx %arg8[%shift_right_logical3A_197, %and3A_200], %get3A_203 {add = true} : memref<80x128xf32, #tpu.memory_space<vmem>>[vector<16xi32>, vector<16xi32>], vector<16xf32>,
      %add3A_204 = arith.addi %mul3A_2, %add3A_34 : i32
      %mul3A_205 = arith.constant 128 : i32
      %mul3A_206 = arith.muli %add3A_204, %mul3A_205 : i32
      %add3A_207 = arith.constant 112 : i32
      %add3A_208 = arith.addi %mul3A_206, %add3A_207 : i32
      %iota3A_209 = tpu.iota {dimensions = array<i32: 0>} : vector<16xi32>
      %add3A_210 = vector.broadcast %add3A_208 : i32 to vector<16xi32>
      %add3A_211 = arith.addi %iota3A_209, %add3A_210 : vector<16xi32>
      %lt3A_212 = arith.constant 320000 : i32
      %lt3A_213 = vector.broadcast %lt3A_212 : i32 to vector<16xi32>
      %lt3A_214 = arith.cmpi slt, %add3A_211, %lt3A_213 : vector<16xi32>
      tpu.vector_store_idx %arg9[%shift_right_logical3A_197, %and3A_200], %broadcast_in_dim3A_5 masked %lt3A_214 {add = true} : memref<80x128xf32, #tpu.memory_space<vmem>>[vector<16xi32>, vector<16xi32>], vector<16xf32>, vector<16xi1>
    }
    %scan3A_14 = arith.constant 80 : i32
    %scan3A_15 = arith.constant 0 : i32
    %scan3A_16 = arith.constant 5 : i32
    %scan3A_17 = arith.addi %scan3A_15, %scan3A_16 : i32
    %scan3A_18 = arith.constant 1 : i32
    scf.for %scan3A_30 = %scan3A_15 to %scan3A_17 step %scan3A_18  : i32 {
      %mul3A_31 = arith.constant 1 : i32
      %mul3A_32 = arith.muli %scan3A_30, %mul3A_31 : i32
      %add3A_33 = arith.constant 0 : i32
      %add3A_34 = arith.addi %add3A_33, %mul3A_32 : i32
      %swap3A = arith.index_cast %add3A_34 : i32 to index
      %swap3A_35 = arith.constant 0 : index
      %swap3A_36 = tpu.vector_load %arg11[%swap3A, %swap3A_35] {strides = array<i32>} : memref<5x128xf32, #tpu.memory_space<vmem>>, vector<16xf32>,
      tpu.vector_store %arg11[%swap3A, %swap3A_35], %broadcast_in_dim3A_3 {strides = array<i32>} : memref<5x128xf32, #tpu.memory_space<vmem>>, vector<16xf32>,
      %swap3A_37 = arith.index_cast %add3A_34 : i32 to index
      %swap3A_38 = arith.constant 16 : index
      %swap3A_39 = tpu.vector_load %arg11[%swap3A_37, %swap3A_38] {strides = array<i32>} : memref<5x128xf32, #tpu.memory_space<vmem>>, vector<16xf32>,
      tpu.vector_store %arg11[%swap3A_37, %swap3A_38], %broadcast_in_dim3A_3 {strides = array<i32>} : memref<5x128xf32, #tpu.memory_space<vmem>>, vector<16xf32>,
      %swap3A_40 = arith.index_cast %add3A_34 : i32 to index
      %swap3A_41 = arith.constant 32 : index
      %swap3A_42 = tpu.vector_load %arg11[%swap3A_40, %swap3A_41] {strides = array<i32>} : memref<5x128xf32, #tpu.memory_space<vmem>>, vector<16xf32>,
      tpu.vector_store %arg11[%swap3A_40, %swap3A_41], %broadcast_in_dim3A_3 {strides = array<i32>} : memref<5x128xf32, #tpu.memory_space<vmem>>, vector<16xf32>,
      %swap3A_43 = arith.index_cast %add3A_34 : i32 to index
      %swap3A_44 = arith.constant 48 : index
      %swap3A_45 = tpu.vector_load %arg11[%swap3A_43, %swap3A_44] {strides = array<i32>} : memref<5x128xf32, #tpu.memory_space<vmem>>, vector<16xf32>,
      tpu.vector_store %arg11[%swap3A_43, %swap3A_44], %broadcast_in_dim3A_3 {strides = array<i32>} : memref<5x128xf32, #tpu.memory_space<vmem>>, vector<16xf32>,
      %swap3A_46 = arith.index_cast %add3A_34 : i32 to index
      %swap3A_47 = arith.constant 64 : index
      %swap3A_48 = tpu.vector_load %arg11[%swap3A_46, %swap3A_47] {strides = array<i32>} : memref<5x128xf32, #tpu.memory_space<vmem>>, vector<16xf32>,
      tpu.vector_store %arg11[%swap3A_46, %swap3A_47], %broadcast_in_dim3A_3 {strides = array<i32>} : memref<5x128xf32, #tpu.memory_space<vmem>>, vector<16xf32>,
      %swap3A_49 = arith.index_cast %add3A_34 : i32 to index
      %swap3A_50 = arith.constant 80 : index
      %swap3A_51 = tpu.vector_load %arg11[%swap3A_49, %swap3A_50] {strides = array<i32>} : memref<5x128xf32, #tpu.memory_space<vmem>>, vector<16xf32>,
      tpu.vector_store %arg11[%swap3A_49, %swap3A_50], %broadcast_in_dim3A_3 {strides = array<i32>} : memref<5x128xf32, #tpu.memory_space<vmem>>, vector<16xf32>,
      %swap3A_52 = arith.index_cast %add3A_34 : i32 to index
      %swap3A_53 = arith.constant 96 : index
      %swap3A_54 = tpu.vector_load %arg11[%swap3A_52, %swap3A_53] {strides = array<i32>} : memref<5x128xf32, #tpu.memory_space<vmem>>, vector<16xf32>,
      tpu.vector_store %arg11[%swap3A_52, %swap3A_53], %broadcast_in_dim3A_3 {strides = array<i32>} : memref<5x128xf32, #tpu.memory_space<vmem>>, vector<16xf32>,
      %swap3A_55 = arith.index_cast %add3A_34 : i32 to index
      %swap3A_56 = arith.constant 112 : index
      %swap3A_57 = tpu.vector_load %arg11[%swap3A_55, %swap3A_56] {strides = array<i32>} : memref<5x128xf32, #tpu.memory_space<vmem>>, vector<16xf32>,
      tpu.vector_store %arg11[%swap3A_55, %swap3A_56], %broadcast_in_dim3A_3 {strides = array<i32>} : memref<5x128xf32, #tpu.memory_space<vmem>>, vector<16xf32>,
    }
    %scan3A_19 = arith.constant 5 : i32
    %scan3A_20 = arith.constant 0 : i32
    %scan3A_21 = arith.constant 5 : i32
    %scan3A_22 = arith.addi %scan3A_20, %scan3A_21 : i32
    %scan3A_23 = arith.constant 1 : i32
    scf.for %scan3A_30 = %scan3A_20 to %scan3A_22 step %scan3A_23  : i32 {
      %mul3A_31 = arith.constant 16 : i32
      %mul3A_32 = arith.muli %scan3A_30, %mul3A_31 : i32
      %add3A_33 = arith.constant 0 : i32
      %add3A_34 = arith.addi %add3A_33, %mul3A_32 : i32
      %iota3A = tpu.iota {dimensions = array<i32: 0>} : vector<16xi32>
      %add3A_35 = vector.broadcast %add3A_34 : i32 to vector<16xi32>
      %add3A_36 = arith.addi %iota3A, %add3A_35 : vector<16xi32>
      %swap3A = arith.index_cast %add3A_34 : i32 to index
      %swap3A_37 = tpu.vector_load %arg10[%swap3A] {strides = array<i32>} : memref<80xi32, #tpu.memory_space<vmem>>, vector<16xi32>,
      tpu.vector_store %arg10[%swap3A], %add3A_36 {strides = array<i32>} : memref<80xi32, #tpu.memory_space<vmem>>, vector<16xi32>,
    }
    %scan3A_24 = arith.constant 5 : i32
    %mul3A_25 = arith.constant 5 : i32
    %mul3A_26 = arith.muli %arg1, %mul3A_25 : i32
    "tpu.region"() ({
      %run_scoped3A = tpu.sem_alloc : memref<!tpu.dma_semaphore, #tpu.memory_space<semaphore_mem>>
      %dma_start3A = arith.constant 0 : i32
      %dma_start3A_30 = tpu.memref_slice %arg12[%mul3A_26, %dma_start3A] : memref<80x128xf32, #tpu.memory_space<vmem_shared>> -> memref<5x128xf32, #tpu.memory_space<vmem_shared>>
      %dma_start3A_31 = arith.constant 0 : i32
      %dma_start3A_32 = tpu.memref_slice %arg12[%mul3A_26, %dma_start3A_31] : memref<80x128xf32, #tpu.memory_space<vmem_shared>> -> memref<5x128xf32, #tpu.memory_space<vmem_shared>>
      tpu.enqueue_dma source(%arg11 : memref<5x128xf32, #tpu.memory_space<vmem>>) target(%dma_start3A_32 : memref<5x128xf32, #tpu.memory_space<vmem_shared>>) target_semaphore(%run_scoped3A : memref<!tpu.dma_semaphore, #tpu.memory_space<semaphore_mem>>)
      %dma_wait3A = arith.constant 0 : i32
      %dma_wait3A_33 = tpu.memref_slice %arg12[%mul3A_26, %dma_wait3A] : memref<80x128xf32, #tpu.memory_space<vmem_shared>> -> memref<5x128xf32, #tpu.memory_space<vmem_shared>>
      %dma_wait3A_34 = arith.constant 0 : i32
      %dma_wait3A_35 = tpu.memref_slice %arg12[%mul3A_26, %dma_wait3A_34] : memref<80x128xf32, #tpu.memory_space<vmem_shared>> -> memref<5x128xf32, #tpu.memory_space<vmem_shared>>
      tpu.wait_dma2 semaphore(%run_scoped3A : memref<!tpu.dma_semaphore, #tpu.memory_space<semaphore_mem>>) src(%arg11 : memref<5x128xf32, #tpu.memory_space<vmem>>) dst(%dma_wait3A_35 : memref<5x128xf32, #tpu.memory_space<vmem_shared>>)
      tpu.yield
    }) : () -> ()
    "tpu.region"() ({
      %run_scoped3A = tpu.sem_alloc : memref<!tpu.dma_semaphore, #tpu.memory_space<semaphore_mem>>
      %dma_start3A = arith.constant 0 : i32
      %dma_start3A_30 = tpu.memref_slice %arg13[%mul3A_26, %dma_start3A] : memref<80x128xf32, #tpu.memory_space<vmem_shared>> -> memref<5x128xf32, #tpu.memory_space<vmem_shared>>
      %dma_start3A_31 = arith.constant 0 : i32
      %dma_start3A_32 = tpu.memref_slice %arg13[%mul3A_26, %dma_start3A_31] : memref<80x128xf32, #tpu.memory_space<vmem_shared>> -> memref<5x128xf32, #tpu.memory_space<vmem_shared>>
      tpu.enqueue_dma source(%arg11 : memref<5x128xf32, #tpu.memory_space<vmem>>) target(%dma_start3A_32 : memref<5x128xf32, #tpu.memory_space<vmem_shared>>) target_semaphore(%run_scoped3A : memref<!tpu.dma_semaphore, #tpu.memory_space<semaphore_mem>>)
      %dma_wait3A = arith.constant 0 : i32
      %dma_wait3A_33 = tpu.memref_slice %arg13[%mul3A_26, %dma_wait3A] : memref<80x128xf32, #tpu.memory_space<vmem_shared>> -> memref<5x128xf32, #tpu.memory_space<vmem_shared>>
      %dma_wait3A_34 = arith.constant 0 : i32
      %dma_wait3A_35 = tpu.memref_slice %arg13[%mul3A_26, %dma_wait3A_34] : memref<80x128xf32, #tpu.memory_space<vmem_shared>> -> memref<5x128xf32, #tpu.memory_space<vmem_shared>>
      tpu.wait_dma2 semaphore(%run_scoped3A : memref<!tpu.dma_semaphore, #tpu.memory_space<semaphore_mem>>) src(%arg11 : memref<5x128xf32, #tpu.memory_space<vmem>>) dst(%dma_wait3A_35 : memref<5x128xf32, #tpu.memory_space<vmem_shared>>)
      tpu.yield
    }) : () -> ()
    %barrier3A = arith.constant 0 : index
    tpu.barrier barrier_id(%barrier3A)
    "tpu.region"() ({
      %run_scoped3A = tpu.sem_alloc : memref<!tpu.dma_semaphore, #tpu.memory_space<semaphore_mem>>
      %dma_start3A = arith.constant 0 : i32
      %dma_start3A_30 = arith.constant 0 : i32
      %dma_start3A_31 = tpu.memref_slice %arg12[%dma_start3A, %dma_start3A_30] : memref<80x128xf32, #tpu.memory_space<vmem_shared>> -> memref<80x128xf32, #tpu.memory_space<vmem_shared>>
      tpu.enqueue_indirect_dma source(%arg8 : memref<80x128xf32, #tpu.memory_space<vmem>>) target(%dma_start3A_31 : memref<80x128xf32, #tpu.memory_space<vmem_shared>>) offsets(%arg10 : memref<80xi32, #tpu.memory_space<vmem>>) semaphore(%run_scoped3A : memref<!tpu.dma_semaphore, #tpu.memory_space<semaphore_mem>>) {add = true}
      %dma_wait3A = arith.constant 0 : i32
      %dma_wait3A_32 = arith.constant 0 : i32
      %dma_wait3A_33 = tpu.memref_slice %arg12[%dma_wait3A, %dma_wait3A_32] : memref<80x128xf32, #tpu.memory_space<vmem_shared>> -> memref<80x128xf32, #tpu.memory_space<vmem_shared>>
      tpu.wait_indirect_dma semaphore(%run_scoped3A : memref<!tpu.dma_semaphore, #tpu.memory_space<semaphore_mem>>) src(%arg8 : memref<80x128xf32, #tpu.memory_space<vmem>>) dst(%dma_wait3A_33 : memref<80x128xf32, #tpu.memory_space<vmem_shared>>)
      tpu.yield
    }) : () -> ()
    "tpu.region"() ({
      %run_scoped3A = tpu.sem_alloc : memref<!tpu.dma_semaphore, #tpu.memory_space<semaphore_mem>>
      %dma_start3A = arith.constant 0 : i32
      %dma_start3A_30 = arith.constant 0 : i32
      %dma_start3A_31 = tpu.memref_slice %arg13[%dma_start3A, %dma_start3A_30] : memref<80x128xf32, #tpu.memory_space<vmem_shared>> -> memref<80x128xf32, #tpu.memory_space<vmem_shared>>
      tpu.enqueue_indirect_dma source(%arg9 : memref<80x128xf32, #tpu.memory_space<vmem>>) target(%dma_start3A_31 : memref<80x128xf32, #tpu.memory_space<vmem_shared>>) offsets(%arg10 : memref<80xi32, #tpu.memory_space<vmem>>) semaphore(%run_scoped3A : memref<!tpu.dma_semaphore, #tpu.memory_space<semaphore_mem>>) {add = true}
      %dma_wait3A = arith.constant 0 : i32
      %dma_wait3A_32 = arith.constant 0 : i32
      %dma_wait3A_33 = tpu.memref_slice %arg13[%dma_wait3A, %dma_wait3A_32] : memref<80x128xf32, #tpu.memory_space<vmem_shared>> -> memref<80x128xf32, #tpu.memory_space<vmem_shared>>
      tpu.wait_indirect_dma semaphore(%run_scoped3A : memref<!tpu.dma_semaphore, #tpu.memory_space<semaphore_mem>>) src(%arg9 : memref<80x128xf32, #tpu.memory_space<vmem>>) dst(%dma_wait3A_33 : memref<80x128xf32, #tpu.memory_space<vmem_shared>>)
      tpu.yield
    }) : () -> ()
    %barrier3A_27 = arith.constant 0 : index
    tpu.barrier barrier_id(%barrier3A_27)
    %lt3A = arith.constant 10 : i32
    %lt3A_28 = arith.cmpi slt, %arg1, %lt3A : i32
    %convert_element_type3A = arith.extui %lt3A_28 : i1 to i32
    %cond3A = arith.constant 0 : i32
    %cond3A_29 = arith.cmpi ne, %convert_element_type3A, %cond3A : i32
    scf.if %cond3A_29 {
      %mul3A_30 = arith.constant 8 : i32
      %mul3A_31 = arith.muli %arg1, %mul3A_30 : i32
      "tpu.region"() ({
        %run_scoped3A = tpu.sem_alloc : memref<!tpu.dma_semaphore, #tpu.memory_space<semaphore_mem>>
        %dma_start3A = arith.constant 0 : i32
        %dma_start3A_32 = tpu.memref_slice %arg4[%arg0, %mul3A_31, %dma_start3A] : memref<2x80x128xf32, #tpu.memory_space<hbm>> -> memref<1x8x128xf32, #tpu.memory_space<hbm>>
        %dma_start3A_33 = tpu.memref_squeeze %dma_start3A_32 : memref<1x8x128xf32, #tpu.memory_space<hbm>> -> memref<8x128xf32, #tpu.memory_space<hbm>>
        %dma_start3A_34 = arith.constant 0 : i32
        %dma_start3A_35 = tpu.memref_slice %arg12[%mul3A_31, %dma_start3A_34] : memref<80x128xf32, #tpu.memory_space<vmem_shared>> -> memref<8x128xf32, #tpu.memory_space<vmem_shared>>
        tpu.enqueue_dma source(%dma_start3A_35 : memref<8x128xf32, #tpu.memory_space<vmem_shared>>) target(%dma_start3A_33 : memref<8x128xf32, #tpu.memory_space<hbm>>) target_semaphore(%run_scoped3A : memref<!tpu.dma_semaphore, #tpu.memory_space<semaphore_mem>>)
        %dma_wait3A = arith.constant 0 : i32
        %dma_wait3A_36 = tpu.memref_slice %arg4[%arg0, %mul3A_31, %dma_wait3A] : memref<2x80x128xf32, #tpu.memory_space<hbm>> -> memref<1x8x128xf32, #tpu.memory_space<hbm>>
        %dma_wait3A_37 = tpu.memref_squeeze %dma_wait3A_36 : memref<1x8x128xf32, #tpu.memory_space<hbm>> -> memref<8x128xf32, #tpu.memory_space<hbm>>
        %dma_wait3A_38 = arith.constant 0 : i32
        %dma_wait3A_39 = tpu.memref_slice %arg12[%mul3A_31, %dma_wait3A_38] : memref<80x128xf32, #tpu.memory_space<vmem_shared>> -> memref<8x128xf32, #tpu.memory_space<vmem_shared>>
        tpu.wait_dma2 semaphore(%run_scoped3A : memref<!tpu.dma_semaphore, #tpu.memory_space<semaphore_mem>>) src(%dma_wait3A_39 : memref<8x128xf32, #tpu.memory_space<vmem_shared>>) dst(%dma_wait3A_37 : memref<8x128xf32, #tpu.memory_space<hbm>>)
        tpu.yield
      }) : () -> ()
      "tpu.region"() ({
        %run_scoped3A = tpu.sem_alloc : memref<!tpu.dma_semaphore, #tpu.memory_space<semaphore_mem>>
        %dma_start3A = arith.constant 0 : i32
        %dma_start3A_32 = tpu.memref_slice %arg5[%arg0, %mul3A_31, %dma_start3A] : memref<2x80x128xf32, #tpu.memory_space<hbm>> -> memref<1x8x128xf32, #tpu.memory_space<hbm>>
        %dma_start3A_33 = tpu.memref_squeeze %dma_start3A_32 : memref<1x8x128xf32, #tpu.memory_space<hbm>> -> memref<8x128xf32, #tpu.memory_space<hbm>>
        %dma_start3A_34 = arith.constant 0 : i32
        %dma_start3A_35 = tpu.memref_slice %arg13[%mul3A_31, %dma_start3A_34] : memref<80x128xf32, #tpu.memory_space<vmem_shared>> -> memref<8x128xf32, #tpu.memory_space<vmem_shared>>
        tpu.enqueue_dma source(%dma_start3A_35 : memref<8x128xf32, #tpu.memory_space<vmem_shared>>) target(%dma_start3A_33 : memref<8x128xf32, #tpu.memory_space<hbm>>) target_semaphore(%run_scoped3A : memref<!tpu.dma_semaphore, #tpu.memory_space<semaphore_mem>>)
        %dma_wait3A = arith.constant 0 : i32
        %dma_wait3A_36 = tpu.memref_slice %arg5[%arg0, %mul3A_31, %dma_wait3A] : memref<2x80x128xf32, #tpu.memory_space<hbm>> -> memref<1x8x128xf32, #tpu.memory_space<hbm>>
        %dma_wait3A_37 = tpu.memref_squeeze %dma_wait3A_36 : memref<1x8x128xf32, #tpu.memory_space<hbm>> -> memref<8x128xf32, #tpu.memory_space<hbm>>
        %dma_wait3A_38 = arith.constant 0 : i32
        %dma_wait3A_39 = tpu.memref_slice %arg13[%mul3A_31, %dma_wait3A_38] : memref<80x128xf32, #tpu.memory_space<vmem_shared>> -> memref<8x128xf32, #tpu.memory_space<vmem_shared>>
        tpu.wait_dma2 semaphore(%run_scoped3A : memref<!tpu.dma_semaphore, #tpu.memory_space<semaphore_mem>>) src(%dma_wait3A_39 : memref<8x128xf32, #tpu.memory_space<vmem_shared>>) dst(%dma_wait3A_37 : memref<8x128xf32, #tpu.memory_space<hbm>>)
        tpu.yield
      }) : () -> ()
    } else {
    }
    return
  }
}

</mosaic_0001>

<sc_bundles>
// kernel: _deg_call.3.cloned.1.call-start
scs
__scs_entry_jumppad:
0x0: {  	(pc) =	sbr.rel $0x88, $3  }
0x1: {  	(tag) =	ssettag $0x0;
	lr =	simm.s32 $0x1  }
0x2: {  	[smem:$0x3F9F] =	sst lr;
	_ =	strace $0xD0000000  }
0x3: {  	_ = 	snop  }
0x4: {  	_ = 	snop  }
0x5: {  	_ = 	snop  }
0x6: {  	_ = 	snop  }
0x7: {  	_ = 	snop  }
__scs_overlays_trampoline_lowered:
0x8: {  	[smem:$0x3FAE] =	sst s0  }
0x9: {  	[smem:$0x3FAF] =	sst s1  }
0xa: {  	[smem:$0x3FB0] =	sst s2  }
0xb: {  	[smem:$0x3FB1] =	sst s3  }
0xc: {  	[smem:$0x3FB2] =	sst s4  }
0xd: {  	[smem:$0x3FB3] =	sst s5  }
0xe: {  	[smem:$0x3FB4] =	sst s6  }
0xf: {  	[smem:$0x3FB5] =	sst s7  }
0x10: {  	[smem:$0x3FB6] =	sst s8  }
0x11: {  	[smem:$0x3FB7] =	sst s9;
	s0 =	simm.s32 @!p0 $0x0  }
0x12: {  	s1 =	sld [smem:$0x3F9D];
	s0 =	simm.s32 @p0 $0x1  }
0x13: {  	[smem:$0x3FB8] =	sst s0;
	s0 =	simm.s32 @!p1 $0x0  }
0x14: {  	s2 =	sld [smem:$0x3F9C];
	s0 =	simm.s32 @p1 $0x1  }
0x15: {  	[smem:$0x3FB9] =	sst s0;
	s0 =	simm.s32 @!p2 $0x0  }
0x16: {  	s3 =	sld [smem:$0x3FDB];
	s0 =	simm.s32 @p2 $0x1  }
0x17: {  	s4 =	simm.s32 $0x1BF5;
	[smem:$0x3FBB] =	sst s0  }
0x18: {  	s0 =	sld [smem:$0x3F9E];
	_ =	swait.ge [sflag:s4], $0x0  }
0x19: {  	s7 =	sld [smem:$0x3F9F]  }
0x1a: {  	s8 =	sadd.s32 $0xFFFFE003, lr  }
0x1b: {  	s9 =	sadd.s32 $0xFFFFFEF7, lr;
	s5 =	simm.s32 $0xFFFFFFFF;
	p2 =	slt.u32 s8, $0xFFFFF086  }
0x1c: {  	p1 =	slt.u32 s9, $0xF7A;
	s5 =	simm.s32 @!p2 $0x0  }
0x1d: {  	s5 =	simm.s32 @p1 $0x1;
	p0 =	seq.s32 s7, s2  }
0x1e: {  	s7 =	smul.u32 @!p0 $0xF7A, s2;
	p2 =	seq.s32 @!p0 s5, $0x0  }
0x1f: {  	s9 =	smul.u32 $0xF7A, s1;
	s8 =	simm.s32 @!p0 $0x1BF5;
	p2 =	por !p2, p0  }
0x20: {  	[sflag:s8] =	ssyncset.s32 @!p0 $0xFFFFF086;
	s6 =	sadd.s32 @!p0 s3, s7;
	s7 =	simm.s32 @!p0 $0x108  }
0x21: {  	s3 =	sadd.s32 s3, s9;
	s6 =	sadd.s32 @!p0 $0x88, s6;
	s7 =	simm.s32 @p2 $0x1082  }
0x22: {  	[simem:s7], [sflag:s8] =	dma.local @!p0 [hbm:s6], $0xF7A  }
0x23: {  	s9 =	sor.u32 $0xD0000000, s2;
	s6 =	simm.s32 $0x108;
	_ =	swait.ge @!p0 [sflag:s8], $0x0  }
0x24: {  	s3 =	sadd.s32 $0x88, s3;
	s6 =	simm.s32 @!p1 $0x1082;
	[sflag:s4] =	ssyncset.s32 $0xFFFFF086  }
0x25: {  	[simem:s6], [sflag:s4] =	dma.local [hbm:s3], $0xF7A  }
0x26: {  	[smem:$0x3F9F] =	sst s1;
	(tag) =	ssettag s2;
	_ =	strace s9  }
0x27: {  	s1 =	sld [smem:$0x3FAF]  }
0x28: {  	s2 =	sld [smem:$0x3FB0]  }
0x29: {  	s4 =	sld [smem:$0x3FB2]  }
0x2a: {  	p0 =	seq.s32 s5, $0x0;
	s5 =	sld [smem:$0x3FB3]  }
0x2b: {  	s6 =	sld [smem:$0x3FB4]  }
0x2c: {  	s7 =	sld [smem:$0x3FB5]  }
0x2d: {  	s3 =	simm.s32 $0x108;
	s8 =	sld [smem:$0x3FB6]  }
0x2e: {  	s3 =	simm.s32 @!p0 $0x1082;
	s9 =	sld [smem:$0x3FB7]  }
0x2f: {  	lr =	sadd.s32 s0, s3;
	s0 =	sld [smem:$0x3FAE]  }
0x30: {  	s3 =	sld [smem:$0x3FB1]  }
0x31: {  	[smem:$0x3FBA] =	sst s10  }
0x32: {  	s10 =	sld [smem:$0x3FB8];
	_ =	sdelay $0x3  }
0x33: {  	p0 =	seq.s32 s10, $0x1;
	s10 =	sld [smem:$0x3FBA];
	_ =	sdelay $0x3  }
0x34: {  	[smem:$0x3FBA] =	sst s10  }
0x35: {  	s10 =	sld [smem:$0x3FB9];
	_ =	sdelay $0x3  }
0x36: {  	p1 =	seq.s32 s10, $0x1;
	s10 =	sld [smem:$0x3FBA];
	_ =	sdelay $0x3  }
0x37: {  	[smem:$0x3FBA] =	sst s10  }
0x38: {  	s10 =	sld [smem:$0x3FBB]  }
0x39: {  	_ = 	snop;
	(pc) =	sbr.ind lr, $3  }
0x3a: {  	_ = 	snop  }
0x3b: {  	_ = 	snop  }
0x3c: {  	p2 =	seq.s32 s10, $0x1;
	s10 =	sld [smem:$0x3FBA]  }
0x3d: {  	_ =	shalt  }
0x3e: {  	_ =	shalt  }
0x3f: {  	_ =	shalt  }
0x40: {  	_ =	shalt  }
0x41: {  	_ =	shalt  }
0x42: {  	_ =	shalt  }
0x43: {  	_ =	shalt  }
0x44: {  	_ =	shalt  }
0x45: {  	_ =	shalt  }
0x46: {  	_ =	shalt  }
0x47: {  	_ =	shalt  }
0x48: {  	_ =	shalt  }
0x49: {  	_ =	shalt  }
0x4a: {  	_ =	shalt  }
0x4b: {  	_ =	shalt  }
0x4c: {  	_ =	shalt  }
0x4d: {  	_ =	shalt  }
0x4e: {  	_ =	shalt  }
0x4f: {  	_ =	shalt  }
0x50: {  	_ =	shalt  }
0x51: {  	_ =	shalt  }
0x52: {  	_ =	shalt  }
0x53: {  	_ =	shalt  }
0x54: {  	_ =	shalt  }
0x55: {  	_ =	shalt  }
0x56: {  	_ =	shalt  }
0x57: {  	_ =	shalt  }
0x58: {  	_ =	shalt  }
0x59: {  	_ =	shalt  }
0x5a: {  	_ =	shalt  }
0x5b: {  	_ =	shalt  }
0x5c: {  	_ =	shalt  }
0x5d: {  	_ =	shalt  }
0x5e: {  	_ =	shalt  }
0x5f: {  	_ =	shalt  }
0x60: {  	_ =	shalt  }
0x61: {  	_ =	shalt  }
0x62: {  	_ =	shalt  }
0x63: {  	_ =	shalt  }
0x64: {  	_ =	shalt  }
0x65: {  	_ =	shalt  }
0x66: {  	_ =	shalt  }
0x67: {  	_ =	shalt  }
0x68: {  	_ =	shalt  }
0x69: {  	_ =	shalt  }
0x6a: {  	_ =	shalt  }
0x6b: {  	_ =	shalt  }
0x6c: {  	_ =	shalt  }
0x6d: {  	_ =	shalt  }
0x6e: {  	_ =	shalt  }
0x6f: {  	_ =	shalt  }
0x70: {  	_ =	shalt  }
0x71: {  	_ =	shalt  }
0x72: {  	_ =	shalt  }
0x73: {  	_ =	shalt  }
0x74: {  	_ =	shalt  }
0x75: {  	_ =	shalt  }
0x76: {  	_ =	shalt  }
0x77: {  	_ =	shalt  }
0x78: {  	_ =	shalt  }
0x79: {  	_ =	shalt  }
0x7a: {  	_ =	shalt  }
0x7b: {  	_ =	shalt  }
0x7c: {  	_ =	shalt  }
0x7d: {  	_ =	shalt  }
0x7e: {  	_ =	shalt  }
0x7f: {  	_ =	shalt  }
0x80: {  	_ =	shalt  }
0x81: {  	_ =	shalt  }
0x82: {  	_ =	shalt  }
0x83: {  	_ =	shalt  }
0x84: {  	_ =	shalt  }
0x85: {  	_ =	shalt  }
0x86: {  	_ =	shalt  }
0x87: {  	_ =	shalt  }
.Lfunc_end0:
.L_simem_size_0:
called_computation_lowered:
.L_overlay_start_0:
0x88: {  	s2 =	sld [smem:$0x3FD9]  }
0x89: {  	s3 =	sld [smem:$0x3FFE];
	_ =	sdelay $0x1  }
0x8a: {  	s1 =	srdreg.scid  }
0x8b: {  	s0 =	sand.u32 $0x1, s1  }
0x8c: {  	s15 =	sshll.u32 s0, $0xA;
	s2 =	sadd.s32 s3, s2  }
0x8d: {  	s2 =	sadd.s32 s2, s15  }
0x8e: {  	[smem:$0x3FC6] =	sst s2  }
0x8f: {  	_ = 	snop  }
0x90: {  	s2 =	sld [smem:$0x3FD0];
	_ =	sdelay $0x1  }
0x91: {  	s16 =	sld [smem:$0x3FC9]  }
0x92: {  	s5 =	simm.s32 $0xA;
	s6 =	simm.s32 $0x10;
	s4 =	sld [smem:$0x3FC8]  }
0x93: {  	[smem:s6], [sflag:s5] =	dma.local [hbm:s2], $0x1  }
0x94: {  	_ =	swait.eq [sflag:s5], $0x1  }
0x95: {  	[sflag:s5] =	ssyncset.done $0x0  }
0x96: {  	s17 =	sld [smem:$0x10];
	[sflag:s5] =	ssyncadd.s32 $0xFFFFFFFF  }
0x97: {  	s18 =	sld [smem:$0x11];
	(tm) =	ssettm $0x1  }
0x98: {  	s19 =	sld [smem:$0x3FFB];
	_ =	sdelay $0x3  }
0x99: {  	_ =	strace s19  }
0x9a: {  	s6 =	sld [smem:$0x3FFC];
	_ =	sdelay $0x3  }
0x9b: {  	_ =	strace s6  }
0x9c: {  	s6 =	sld [smem:$0x3FFD];
	_ =	sdelay $0x3  }
0x9d: {  	_ =	strace s6  }
0x9e: {  	_ =	strace $0x8FFFFFFF  }
0x9f: {  	s20 =	sld [smem:$0x3FDB];
	_ =	sdelay $0x1  }
0xa0: {  	s7 =	simm.s32 $_scs_section_size  }
0xa1: {  	s8 =	simm.s32 $_size__tile_overlayer_lowered;
	s9 =	simm.s32 $_tile_overlayer_lowered  }
0xa2: {  	s23 =	simm.s32 $0x1BFF;
	s22 =	sshll.u32 s9, $0x1;
	s6 =	sadd.s32 s7, s20  }
0xa3: {  	s10 =	simm.s32 $0x0;
	s21 =	sshll.u32 s8, $0x1;
	s8 =	sadd.s32 s22, s6  }
0xa4: {  	[timem:s10], [sflag:s23] =	dma.local [hbm:s8], s21  }
0xa5: {  	_ =	swait.ge [sflag:s23], s21  }
0xa6: {  	s7 =	ssub.s32 $0x0, s21;
	[sflag:s23] =	ssyncset.done $0x0  }
0xa7: {  	[sflag:s23] =	ssyncadd.s32 s7;
	_ =	sdelay $0x1  }
0xa8: {  	s24 =	simm.s32 $0x1B8B  }
0xa9: {  	_ =	swait.ge [sflag:s24], $0x1  }
0xaa: {  	[sflag:s24] =	ssyncset.done $0x0  }
0xab: {  	s25 =	simm.s32 $0x1B8E;
	[sflag:s24] =	ssyncadd.s32 $0xFFFFFFFF  }
0xac: {  	s26 =	simm.s32 $execute0_lowered;
	[smem:$0x3FD2] =	sst s25  }
0xad: {  	s7 =	sshll.u32 s26, $0x1;
	_ =	strace $0x80000046;
	[dreg:$0x1] =	wrdreg $0xFFFFFFFF  }
0xae: {  	s28 =	simm.s32 $_size_execute0_lowered;
	s6 =	sadd.s32 s6, s7;
	[dreg:$0x0] =	wrdreg $0x0  }
0xaf: {  	s7 =	sshll.u32 s28, $0x1;
	[dreg:$0x2] =	wrdreg s6  }
0xb0: {  	[dreg:$0x3] =	wrdreg s7  }
0xb1: {  	[dreg:$0x4] =	wrdreg $0xC0  }
0xb2: {  	_ =	task [dreg:s10], $0x5FFFF  }
0xb3: {  	[dreg:$0x1] =	wrdreg $0xFFFFFFFF  }
0xb4: {  	[dreg:$0x0] =	wrdreg $0x60  }
0xb5: {  	[dreg:$0x2] =	wrdreg s16  }
0xb6: {  	[dreg:$0x3] =	wrdreg s4  }
0xb7: {  	[dreg:$0x4] =	wrdreg s17  }
0xb8: {  	[dreg:$0x5] =	wrdreg s18  }
0xb9: {  	[dreg:$0x6] =	wrdreg $0xA4800  }
0xba: {  	[dreg:$0x7] =	wrdreg $0xA7000  }
0xbb: {  	[dreg:$0x8] =	wrdreg $0x9  }
0xbc: {  	_ =	task.clear_ibuf [dreg:s10], $0x9FFFF;
	_ =	strace $0x90000046  }
0xbd: {  	s29 =	simm.s32 $0x9;
	_ =	strace $0x80000048  }
0xbe: {  	_ =	swait.ge [sflag:s29], $0x1  }
0xbf: {  	[sflag:s29] =	ssyncadd.s32 $0xFFFFFFFF  }
0xc0: {  	_ =	strace $0x90000048  }
0xc1: {  	_ =	sfence  }
0xc2: {  	s30 =	sld [smem:$0x0];
	_ =	sdelay $0x2  }
0xc3: {  	s31 =	sshll.u32 s1, $0xD;
	s1 =	sshrl.u32 s1, $0x2  }
0xc4: {  	s3 =	sand.u32 $0x4000, s31;
	s1 =	sadd.s32 s1, s30  }
0xc5: {  	s0 =	sor.u32 s3, s0;
	s1 =	sshll.u32 s1, $0x11  }
0xc6: {  	s0 =	sor.u32 s1, s0  }
0xc7: {  	s0 =	sadd.s32 $0x8F2B, s0  }
0xc8: {  	[sflag:s0] =	ssyncadd.remote.s32 $0x1  }
0xc9: {  	_ =	sfence.sel $0xFFFF  }
0xca: {  	[dreg:$0x0] =	wrdreg $0xFFFFFFFF;
	(pc) =	sbr.abs _section_cstart, $3  }
0xcb: {  	[dreg:$0x1] =	wrdreg $0xFFFFFFFF  }
0xcc: {  	_ =	task.clear_ibuf [dreg:s10], $0x2FFFF;
	_ =	strace $0x9FFFFFFF  }
0xcd: {  	(tm) =	ssettm $0x7FFFFFFF  }
tec
execute0_lowered:
.L_overlay_start_1:
0x0: {  	(tag) =	ssettag $0x1  }
0x1: {  	s5 =	rddreg [dreg:$0x0]  }
0x2: {  	s6 =	rddreg [dreg:$0x1]  }
0x3: {  	s9 =	rddreg [dreg:$0x2]  }
0x4: {  	s10 =	rddreg [dreg:$0x3]  }
0x5: {  	s2 =	rddreg [dreg:$0x4]  }
0x6: {  	s0 =	srdreg.scid;
	s3 =	rddreg [dreg:$0x5];
	s4 =	simm.s32 $0x0  }
0x7: {  	s17 =	simm.s32 $0xA080;
	s11 =	sand.u32 $0x1, s0;
	s0 =	stileid.u32  }
0x8: {  	s18 =	simm.s32 $0x50;
	s19 =	simm.s32 $0xA000;
	s12 =	smul.u32 $0x280, s0  }
0x9: {  	s22 =	simm.s32 $0x0;
	[smem:$0x7FF] =	sst s4;
	s14 =	smul.u32 $0x2800, s11  }
0xa: {  	s1 =	sshll.u32 s11, $0x4;
	s8 =	ssub.s32 $0x2, s11;
	s31 =	smul.u32 $0x28000, s11  }
0xb: {  	s15 =	sshll.u32 s0, $0xA;
	s16 =	smul.u32 $0x2800, s0;
	p0 =	sgt.u32 s0, $0x9  }
0xc: {  	s7 =	sor.u32 s0, s1;
	s1 =	rddreg [dreg:$0x6];
	_ =	strace $0x80000047  }
0xd: {  	s13 =	sshrl.u32 s8, $0x1;
	s20 =	sadd.s32 s15, s2;
	s21 =	sadd.s32 s15, s3  }
0xe: {  	s7 =	smul.u32 $0x500, s7;
	s13 =	ssub.s32 s8, s13;
	s14 =	sadd.s32 s15, s14  }
0xf: {  	s8 =	sadd.s32 s12, s3;
	s15 =	simm.s32 $0x5000;
	s20 =	sshrl.u32 @!p0 s20, $0x3  }
0x10: {  	s21 =	sshrl.u32 @!p0 s21, $0x3;
	s30 =	sshrl.u32 s14, $0x3;
	s11 =	smax.u32 s13, $0x1  }
0x11: {  	v0 =	vimm.f32 $0.0e+00;
	v1 =	vlaneseq.u32;
	s13 =	simm.s32 $0x1;
	s14 =	simm.s32 $0x2800;
	s5 =	sadd.s32 s5, s7  }
0x12: {  	vm0 =	vmxor vm0, vm0;
	v2 =	vimm.f32 $1.000000000e+00;
	v3 =	vor.u32 $0x10, v1;
	s6 =	sadd.s32 s6, s7;
	s7 =	sadd.s32 s12, s2;
	s9 =	sadd.s32 s9, s30  }
0x13: {  	v4 =	vor.u32 $0x20, v1;
	v5 =	vor.u32 $0x30, v1;
	v6 =	vor.u32 $0x40, v1;
	s10 =	sadd.s32 s10, s30;
	s12 =	sadd.s32 s16, s31;
	s16 =	simm.s32 $0x7800  }
.LBB2_1:
0x14: {  	[tilespmem:s4], [sflag:$0x1] =	stream.linear.gather [hbm4b:s5+s4], $0x2800, $0x38;
	[tilespmem:$0xA980] =	vst v63  }
0x15: {  	_ =	swait.ge [sflag:s13], $0x2800  }
0x16: {  	[sflag:s13] =	ssyncset.done $0x0  }
0x17: {  	[sflag:s13] =	ssyncadd.s32 $0xFFFFD800  }
0x18: {  	[tilespmem:s14], [sflag:$0x1] =	stream.linear.gather [hbm4b:s6+s4], $0x2800, $0x38;
	[tilespmem:$0xA980] =	vst v63  }
0x19: {  	_ =	swait.ge [sflag:s13], $0x2800  }
0x1a: {  	[sflag:s13] =	ssyncset.done $0x0  }
0x1b: {  	s23 =	simm.s32 $0x0;
	s24 =	simm.s32 $0x200;
	[sflag:s13] =	ssyncadd.s32 $0xFFFFD800  }
.LBB2_2:
0x1c: {  	p1 =	sne.s32 s24, $0x9E00;
	[tilespmem:s23+$0x7870] =	vst v0  }
0x1d: {  	[tilespmem:s23+$0x5000] =	vst v0  }
0x1e: {  	[tilespmem:s23+$0x7800] =	vst v0  }
0x1f: {  	[tilespmem:s23+$0x5010] =	vst v0  }
0x20: {  	[tilespmem:s23+$0x7810] =	vst v0  }
0x21: {  	[tilespmem:s23+$0x5020] =	vst v0  }
0x22: {  	[tilespmem:s23+$0x7820] =	vst v0  }
0x23: {  	[tilespmem:s23+$0x5030] =	vst v0  }
0x24: {  	[tilespmem:s23+$0x7830] =	vst v0  }
0x25: {  	[tilespmem:s23+$0x5040] =	vst v0  }
0x26: {  	[tilespmem:s23+$0x7840] =	vst v0  }
.Ltmp0:
0x27: {  	[tilespmem:s23+$0x5050] =	vst v0;
	(pc) =	sbr.rel @p1 .LBB2_2-.Ltmp0, $4  }
0x28: {  	[tilespmem:s23+$0x7850] =	vst v0  }
0x29: {  	[tilespmem:s23+$0x5060] =	vst v0  }
0x2a: {  	[tilespmem:s23+$0x7860] =	vst v0  }
0x2b: {  	[tilespmem:s23+$0x5070] =	vst v0;
	s23 =	sshra.s32 s24, $0x2;
	s24 =	sadd.s32 $0x200, s24  }
0x2c: {  	[tilespmem:s23+$0x7870] =	vst v0  }
0x2d: {  	[tilespmem:s23+$0x5000] =	vst v0  }
0x2e: {  	[tilespmem:s23+$0x7800] =	vst v0  }
0x2f: {  	[tilespmem:s23+$0x5010] =	vst v0  }
0x30: {  	[tilespmem:s23+$0x7810] =	vst v0  }
0x31: {  	[tilespmem:s23+$0x5020] =	vst v0  }
0x32: {  	[tilespmem:s23+$0x7820] =	vst v0  }
0x33: {  	[tilespmem:s23+$0x5030] =	vst v0  }
0x34: {  	[tilespmem:s23+$0x7830] =	vst v0  }
0x35: {  	[tilespmem:s23+$0x5040] =	vst v0  }
0x36: {  	[tilespmem:s23+$0x7840] =	vst v0  }
0x37: {  	[tilespmem:s23+$0x5050] =	vst v0  }
0x38: {  	[tilespmem:s23+$0x7850] =	vst v0  }
0x39: {  	[tilespmem:s23+$0x5060] =	vst v0  }
0x3a: {  	[tilespmem:s23+$0x7860] =	vst v0  }
0x3b: {  	[tilespmem:s23+$0x5070] =	vst v0;
	s23 =	simm.s32 $0x0;
	s24 =	simm.s32 $0x40;
	s25 =	simm.s32 $0x2840  }
.LBB2_4:
0x3c: {  	v7 =	vld [tilespmem:s24+$0xFFFFFFC0]  }
0x3d: {  	s26 =	sadd.s32 s23, s12  }
0x3e: {  	vm1 =	vmmov vm0;
	p1 =	slt.u32 s26, $0x4E200  }
0x3f: {  	v8 =	vld [tilespmem:s25+$0xFFFFFFC0];
	vm1 =	vmneg @p1 vm1;
	_ =	sdelay $0x4  }
0x40: {  	[tilespmem:v7+s15+$0x0] =	vst.idx.add.f32.msk $0xffff, v8  }
0x41: {  	[tilespmem:v7+s16+$0x0] =	vst.idx.add.f32.msk vm1, v2  }
0x42: {  	v7 =	vld [tilespmem:s24+$0xFFFFFFD0]  }
0x43: {  	s28 =	sadd.s32 $0x10, s26  }
0x44: {  	p1 =	slt.u32 s28, $0x4E200;
	vm1 =	vmmov vm0  }
0x45: {  	v8 =	vld [tilespmem:s25+$0xFFFFFFD0];
	vm1 =	vmneg @p1 vm1;
	_ =	sdelay $0x4  }
0x46: {  	[tilespmem:v7+s15+$0x0] =	vst.idx.add.f32.msk $0xffff, v8  }
0x47: {  	[tilespmem:v7+s16+$0x0] =	vst.idx.add.f32.msk vm1, v2  }
0x48: {  	v7 =	vld [tilespmem:s24+$0xFFFFFFE0]  }
0x49: {  	s30 =	sadd.s32 $0x20, s26  }
0x4a: {  	p1 =	slt.u32 s30, $0x4E200;
	vm1 =	vmmov vm0  }
0x4b: {  	v8 =	vld [tilespmem:s25+$0xFFFFFFE0];
	vm1 =	vmneg @p1 vm1;
	_ =	sdelay $0x4  }
0x4c: {  	[tilespmem:v7+s15+$0x0] =	vst.idx.add.f32.msk $0xffff, v8  }
0x4d: {  	[tilespmem:v7+s16+$0x0] =	vst.idx.add.f32.msk vm1, v2  }
0x4e: {  	v7 =	vld [tilespmem:s24+$0xFFFFFFF0]  }
0x4f: {  	s31 =	sadd.s32 $0x30, s26  }
0x50: {  	p1 =	slt.u32 s31, $0x4E200;
	vm1 =	vmmov vm0  }
0x51: {  	v8 =	vld [tilespmem:s25+$0xFFFFFFF0];
	vm1 =	vmneg @p1 vm1;
	_ =	sdelay $0x4  }
0x52: {  	[tilespmem:v7+s15+$0x0] =	vst.idx.add.f32.msk $0xffff, v8  }
0x53: {  	[tilespmem:v7+s16+$0x0] =	vst.idx.add.f32.msk vm1, v2  }
0x54: {  	v7 =	vld [tilespmem:s24+$0x0]  }
0x55: {  	s29 =	sadd.s32 $0x40, s26  }
0x56: {  	p1 =	slt.u32 s29, $0x4E200;
	vm1 =	vmmov vm0  }
0x57: {  	v8 =	vld [tilespmem:s25+$0x0];
	vm1 =	vmneg @p1 vm1;
	_ =	sdelay $0x4  }
0x58: {  	[tilespmem:v7+s15+$0x0] =	vst.idx.add.f32.msk $0xffff, v8  }
0x59: {  	[tilespmem:v7+s16+$0x0] =	vst.idx.add.f32.msk vm1, v2  }
0x5a: {  	v7 =	vld [tilespmem:s24+$0x10]  }
0x5b: {  	s30 =	sadd.s32 $0x50, s26  }
0x5c: {  	p1 =	slt.u32 s30, $0x4E200;
	vm1 =	vmmov vm0  }
0x5d: {  	v8 =	vld [tilespmem:s25+$0x10];
	vm1 =	vmneg @p1 vm1;
	_ =	sdelay $0x4  }
0x5e: {  	[tilespmem:v7+s15+$0x0] =	vst.idx.add.f32.msk $0xffff, v8  }
0x5f: {  	[tilespmem:v7+s16+$0x0] =	vst.idx.add.f32.msk vm1, v2  }
0x60: {  	v7 =	vld [tilespmem:s24+$0x20]  }
0x61: {  	s31 =	sadd.s32 $0x60, s26  }
0x62: {  	p1 =	slt.u32 s31, $0x4E200;
	vm1 =	vmmov vm0  }
0x63: {  	v8 =	vld [tilespmem:s25+$0x20];
	vm1 =	vmneg @p1 vm1;
	_ =	sdelay $0x4  }
0x64: {  	[tilespmem:v7+s15+$0x0] =	vst.idx.add.f32.msk $0xffff, v8  }
0x65: {  	[tilespmem:v7+s16+$0x0] =	vst.idx.add.f32.msk vm1, v2  }
0x66: {  	v7 =	vld [tilespmem:s24+$0x30]  }
0x67: {  	s26 =	sadd.s32 $0x70, s26  }
0x68: {  	p1 =	slt.u32 s26, $0x4E200;
	vm1 =	vmmov vm0  }
0x69: {  	v8 =	vld [tilespmem:s25+$0x30];
	vm1 =	vmneg @p1 vm1  }
0x6a: {  	p1 =	sne.s32 s23, $0x2780  }
.Ltmp1:
0x6b: {  	_ = 	snop;
	(pc) =	sbr.rel @p1 .LBB2_4-.Ltmp1, $3  }
0x6c: {  	_ =	sdelay $0x1  }
0x6d: {  	[tilespmem:v7+s15+$0x0] =	vst.idx.add.f32.msk $0xffff, v8  }
0x6e: {  	s24 =	sadd.s32 $0x80, s24;
	s25 =	sadd.s32 $0x80, s25;
	s23 =	sadd.s32 $0x80, s23;
	[tilespmem:v7+s16+$0x0] =	vst.idx.add.f32.msk vm1, v2  }
0x6f: {  	[tilespmem:$0xA080] =	vst v0  }
0x70: {  	[tilespmem:$0xA090] =	vst v0  }
0x71: {  	[tilespmem:$0xA0A0] =	vst v0  }
0x72: {  	[tilespmem:$0xA0B0] =	vst v0  }
0x73: {  	[tilespmem:$0xA0C0] =	vst v0  }
0x74: {  	[tilespmem:$0xA0D0] =	vst v0  }
0x75: {  	[tilespmem:$0xA0E0] =	vst v0  }
0x76: {  	[tilespmem:$0xA0F0] =	vst v0  }
0x77: {  	[tilespmem:$0xA100] =	vst v0  }
0x78: {  	[tilespmem:$0xA110] =	vst v0  }
0x79: {  	[tilespmem:$0xA120] =	vst v0  }
0x7a: {  	[tilespmem:$0xA130] =	vst v0  }
0x7b: {  	[tilespmem:$0xA140] =	vst v0  }
0x7c: {  	[tilespmem:$0xA150] =	vst v0  }
0x7d: {  	[tilespmem:$0xA160] =	vst v0  }
0x7e: {  	[tilespmem:$0xA170] =	vst v0  }
0x7f: {  	[tilespmem:$0xA180] =	vst v0  }
0x80: {  	[tilespmem:$0xA190] =	vst v0  }
0x81: {  	[tilespmem:$0xA1A0] =	vst v0  }
0x82: {  	[tilespmem:$0xA1B0] =	vst v0  }
0x83: {  	[tilespmem:$0xA1C0] =	vst v0  }
0x84: {  	[tilespmem:$0xA1D0] =	vst v0  }
0x85: {  	[tilespmem:$0xA1E0] =	vst v0  }
0x86: {  	[tilespmem:$0xA1F0] =	vst v0  }
0x87: {  	[tilespmem:$0xA200] =	vst v0  }
0x88: {  	[tilespmem:$0xA210] =	vst v0  }
0x89: {  	[tilespmem:$0xA220] =	vst v0  }
0x8a: {  	[tilespmem:$0xA230] =	vst v0  }
0x8b: {  	[tilespmem:$0xA240] =	vst v0  }
0x8c: {  	[tilespmem:$0xA250] =	vst v0  }
0x8d: {  	[tilespmem:$0xA260] =	vst v0  }
0x8e: {  	[tilespmem:$0xA270] =	vst v0  }
0x8f: {  	[tilespmem:$0xA280] =	vst v0  }
0x90: {  	[tilespmem:$0xA290] =	vst v0  }
0x91: {  	[tilespmem:$0xA2A0] =	vst v0  }
0x92: {  	[tilespmem:$0xA2B0] =	vst v0  }
0x93: {  	[tilespmem:$0xA2C0] =	vst v0  }
0x94: {  	[tilespmem:$0xA2D0] =	vst v0  }
0x95: {  	[tilespmem:$0xA2E0] =	vst v0  }
0x96: {  	[tilespmem:$0xA2F0] =	vst v0  }
0x97: {  	[tilespmem:$0xA000] =	vst v1  }
0x98: {  	[tilespmem:$0xA010] =	vst v3  }
0x99: {  	[tilespmem:$0xA020] =	vst v4  }
0x9a: {  	[tilespmem:$0xA030] =	vst v5  }
0x9b: {  	[tilespmem:$0xA040] =	vst v6  }
0x9c: {  	[spmem:s7] =	stream.linear.scatter [tilespmem:s17], [sflag:$0x1], $0x280, $0x38;
	[tilespmem:$0xA980] =	vst v63  }
0x9d: {  	_ =	swait.ge [sflag:s13], $0x280  }
0x9e: {  	[sflag:s13] =	ssyncset.done $0x0  }
0x9f: {  	[sflag:s13] =	ssyncadd.s32 $0xFFFFFD80  }
0xa0: {  	[spmem:s8] =	stream.linear.scatter [tilespmem:s17], [sflag:$0x1], $0x280, $0x38;
	[tilespmem:$0xA980] =	vst v63  }
0xa1: {  	_ =	swait.ge [sflag:s13], $0x280  }
0xa2: {  	[sflag:s13] =	ssyncset.done $0x0  }
0xa3: {  	[sflag:s13] =	ssyncadd.s32 $0xFFFFFD80  }
0xa4: {  	[bflag:$0x0] =	sbarrier.arrive $0xFFFF  }
0xa5: {  	[spmem:s2] =	stream.indirect.scatter.add.f32 [tilespmem:s15], [sflag:$0x1], $0x80, s19, s18, $0xb8;
	[tilespmem:$0xA980] =	vst v63  }
0xa6: {  	_ =	swait.ge [sflag:s13], $0x2800  }
0xa7: {  	[sflag:s13] =	ssyncset.done $0x0  }
0xa8: {  	[sflag:s13] =	ssyncadd.s32 $0xFFFFD800  }
0xa9: {  	[spmem:s3] =	stream.indirect.scatter.add.f32 [tilespmem:s16], [sflag:$0x1], $0x80, s19, s18, $0xb8;
	[tilespmem:$0xA980] =	vst v63  }
0xaa: {  	_ =	swait.ge [sflag:s13], $0x2800  }
0xab: {  	[sflag:s13] =	ssyncset.done $0x0  }
0xac: {  	s23 =	sshll.u32 @!p0 s0, $0x6;
	[sflag:s13] =	ssyncadd.s32 $0xFFFFD800  }
0xad: {  	s24 =	simm.s32 @!p0 $0x1;
	s23 =	sor.u32 @!p0 $0x1C01, s23;
	[bflag:$0x0] =	sbarrier.arrive $0xFFFF  }
0xae: {  	[hbm:s9], [sflag:s23] =	dma.local @!p0 [spmem:s20], $0x80  }
0xaf: {  	s22 =	sadd.s32 $0x1, s22;
	_ =	swait.ge @!p0 [sflag:s24], $0x80  }
0xb0: {  	p1 =	sne.s32 s22, s11;
	[sflag:s24] =	ssyncset.done @!p0 $0x0  }
.Ltmp2:
0xb1: {  	[sflag:s24] =	ssyncadd.s32 @!p0 $0xFFFFFF80;
	(pc) =	sbr.rel @p1 .LBB2_1-.Ltmp2, $4  }
0xb2: {  	[hbm:s10], [sflag:s23] =	dma.local @!p0 [spmem:s21], $0x80  }
0xb3: {  	_ =	swait.ge @!p0 [sflag:s24], $0x80  }
0xb4: {  	[sflag:s24] =	ssyncset.done @!p0 $0x0  }
0xb5: {  	[sflag:s24] =	ssyncadd.s32 @!p0 $0xFFFFFF80  }
0xb6: {  	_ =	sfence.sel $0x180000  }
0xb7: {  	[bflag:$0x0] =	sbarrier.arrive $0xFFFF  }
0xb8: {  	p0 =	sne.s32 s0, $0x0;
	_ =	strace $0x90000047  }
0xb9: {  	s0 =	sadd.s32 @!p0 $0x100000, s1;
	[bflag:$0x2] =	sbarrier.arrive $0xFFFF  }
0xba: {  	[sflag:s0] =	ssyncadd.tile.s32 @!p0 $0x1;
	_ =	shalt  }
.Lfunc_end2:
_tile_overlayer_lowered:
.L_overlay_start_2:
0xbb: {  	(tag) =	ssettag $0x2  }
0xbc: {  	s0 =	rddreg [dreg:$0x0];
	s2 =	stileid.u32  }
0xbd: {  	s1 =	rddreg [dreg:$0x1];
	p0 =	sne.s32 s2, $0x0  }
0xbe: {  	s3 =	rddreg [dreg:$0x2];
	[bflag:$0x3] =	sbarrier.arrive $0xFFFF;
	s2 =	simm.s32 @!p0 $0x1C01  }
0xbf: {  	[timem:s3], [sflag:s2] =	dma.local @!p0 [hbm:s0], s1  }
0xc0: {  	s0 =	simm.s32 @!p0 $0x1  }
0xc1: {  	_ =	swait.ge @!p0 [sflag:s0], s1  }
0xc2: {  	s1 =	ssub.s32 @!p0 $0x0, s1;
	[sflag:s0] =	ssyncset.done @!p0 $0x0  }
0xc3: {  	[sflag:s0] =	ssyncadd.s32 @!p0 s1  }
0xc4: {  	[bflag:$0x3] =	sbarrier.arrive $0xFFFF  }
0xc5: {  	_ =	shalt  }

</sc_bundles>
